<compile_context>
chip_gen: v7x
topology: tpu7x:2x2x1
jax: 0.10.2.dev20260603
libtpu: 0.0.44.dev20260713+nightly
codegen_flags: <defaults>
</compile_context>

<pallas_src>
import math
import jax
import jax.numpy as jnp
from jax.experimental import pallas as pl
from jax.experimental.pallas import tpu as pltpu

B = 32
LT = 64
LS = 256
N = LT + 2 * LS
C = 768
H = 12
DH = C // H
HID = 3072
KEEP = 180
NKEPT = LT + 2 * KEEP


def _layernorm(x, w, b, eps=1e-5):
    mu = jnp.mean(x, axis=-1, keepdims=True)
    var = jnp.mean((x - mu) ** 2, axis=-1, keepdims=True)
    return (x - mu) / jnp.sqrt(var + eps) * w + b


NQC = 2
QR = N // NQC


def _attn_proj_body(x_ref, qkv_ref, pw_ref, pb_ref,
                    st_ref, attn_ref, out_ref):
    qkv2d = qkv_ref[0]
    c = pl.program_id(1)
    qrows = qkv_ref[0, pl.dslice(c * QR, QR), :]
    scale = DH ** -0.5
    xa_parts = []
    for h in range(H):
        qh = qrows[:, h * DH:(h + 1) * DH]
        kh = qkv2d[:, C + h * DH:C + (h + 1) * DH]
        vh = qkv2d[:, 2 * C + h * DH:2 * C + (h + 1) * DH]
        s0 = jax.lax.dot_general(qh, kh, (((1,), (1,)), ((), ())),
                                 preferred_element_type=jnp.float32)

        s = s0 * scale
        m = jnp.max(s, axis=1, keepdims=True)
        e = jnp.exp(s - m)
        st_ref[0, h] = e
        denom = jnp.sum(e, axis=1, keepdims=True)
        p = e / denom
        attn_ref[0, h] = p
        xa_parts.append(jnp.dot(p, vh, preferred_element_type=jnp.float32))
    xa = jnp.concatenate(xa_parts, axis=1)
    part = jnp.dot(xa, pw_ref[...], preferred_element_type=jnp.float32)
    out_ref[0] = x_ref[0] + pb_ref[0] + part


def _attn_proj(x, qkv, proj_w, proj_b):
    pw = proj_w.T
    pb = proj_b.reshape(1, C)
    return pl.pallas_call(
        _attn_proj_body,
        grid=(B, NQC),
        in_specs=[
            pl.BlockSpec((1, QR, C), lambda b, c: (b, c, 0)),
            pl.BlockSpec((1, N, 3 * C), lambda b, c: (b, 0, 0)),
            pl.BlockSpec((C, C), lambda b, c: (0, 0)),
            pl.BlockSpec((1, C), lambda b, c: (0, 0)),
        ],
        out_specs=[
            pl.BlockSpec((1, H, QR, N), lambda b, c: (b, 0, c, 0)),
            pl.BlockSpec((1, H, QR, N), lambda b, c: (b, 0, c, 0)),
            pl.BlockSpec((1, QR, C), lambda b, c: (b, c, 0)),
        ],
        out_shape=[
            jax.ShapeDtypeStruct((B, H, N, N), jnp.float32),
            jax.ShapeDtypeStruct((B, H, N, N), jnp.float32),
            jax.ShapeDtypeStruct((B, N, C), jnp.float32),
        ],
        compiler_params=pltpu.CompilerParams(
            vmem_limit_bytes=100 * 1024 * 1024),
    )(x, qkv, pw, pb)


def _gather_mlp_body(x2_ref, idx_ref, n2w_ref, n2b_ref, f1w_ref, f1b_ref,
                     f2w_ref, f2b_ref, out_ref):
    idx = idx_ref[0, 0, :NKEPT]
    onehot = (idx[:, None] ==
              jax.lax.broadcasted_iota(jnp.int32, (NKEPT, N), 1))
    g = jnp.dot(onehot.astype(jnp.float32), x2_ref[0],
                preferred_element_type=jnp.float32)
    mu = jnp.mean(g, axis=-1, keepdims=True)
    var = jnp.mean((g - mu) ** 2, axis=-1, keepdims=True)
    hn = (g - mu) / jnp.sqrt(var + 1e-5) * n2w_ref[0] + n2b_ref[0]
    a1 = jnp.dot(hn, f1w_ref[...],
                 preferred_element_type=jnp.float32) + f1b_ref[0]
    a1 = 0.5 * a1 * (1.0 + jax.lax.erf(a1 * (2.0 ** -0.5)))
    a2 = jnp.dot(a1, f2w_ref[...],
                 preferred_element_type=jnp.float32) + f2b_ref[0]
    out_ref[0] = g + a2


def _gather_mlp(x2, row_idx, n2w, n2b, f1w, f1b, f2w, f2b):
    idx_pad = jnp.pad(row_idx, ((0, 0), (0, 512 - NKEPT))).reshape(B, 1, 512)
    return pl.pallas_call(
        _gather_mlp_body,
        grid=(B,),
        in_specs=[
            pl.BlockSpec((1, N, C), lambda b: (b, 0, 0)),
            pl.BlockSpec((1, 1, 512), lambda b: (b, 0, 0)),
            pl.BlockSpec((1, C), lambda b: (0, 0)),
            pl.BlockSpec((1, C), lambda b: (0, 0)),
            pl.BlockSpec((C, HID), lambda b: (0, 0)),
            pl.BlockSpec((1, HID), lambda b: (0, 0)),
            pl.BlockSpec((HID, C), lambda b: (0, 0)),
            pl.BlockSpec((1, C), lambda b: (0, 0)),
        ],
        out_specs=pl.BlockSpec((1, NKEPT, C), lambda b: (b, 0, 0)),
        out_shape=jax.ShapeDtypeStruct((B, NKEPT, C), jnp.float32),
    )(x2, idx_pad, n2w.reshape(1, C), n2b.reshape(1, C),
      f1w.T, f1b.reshape(1, HID),
      f2w.T, f2b.reshape(1, C))


def kernel(x, global_index_template, global_index_ps, global_index_search,
           norm1_w, norm1_b, qkv_w, qkv_b, proj_w, proj_b,
           norm2_w, norm2_b, fc1_w, fc1_b, fc2_w, fc2_b):
    scale = DH ** -0.5

    h = _layernorm(x, norm1_w, norm1_b)
    qkv = h @ qkv_w.T + qkv_b

    e_full, attn, x2 = _attn_proj(x, qkv, proj_w, proj_b)
    d_full = jax.lax.optimization_barrier(
        jnp.sum(e_full, axis=-1, keepdims=True))
    p_t = e_full[:, :, :LT] / d_full[:, :, :LT]
    p_t = jax.lax.optimization_barrier(p_t)
    attn_t = p_t[:, :, :, LT:].mean(axis=2).mean(axis=1)

    attn_t_ps = attn_t[:, :LS]
    attn_t_s = attn_t[:, LS:]
    idx_ps = jnp.argsort(-attn_t_ps, axis=1)
    idx_s = jnp.argsort(-attn_t_s, axis=1)
    topk_idx_ps = idx_ps[:, :KEEP]
    topk_idx_s = idx_s[:, :KEEP]
    keep_index_ps = jnp.take_along_axis(global_index_ps, topk_idx_ps, axis=1)
    removed_index_ps = jnp.take_along_axis(global_index_ps, idx_ps[:, KEEP:], axis=1)
    keep_index_s = jnp.take_along_axis(global_index_search, topk_idx_s, axis=1)
    removed_index_s = jnp.take_along_axis(global_index_search, idx_s[:, KEEP:], axis=1)

    row_idx = jnp.concatenate(
        [jnp.broadcast_to(jnp.arange(LT, dtype=jnp.int32), (B, LT)),
         topk_idx_ps + LT, topk_idx_s + LT + LS], axis=1)
    x_out = _gather_mlp(x2, row_idx, norm2_w, norm2_b,
                        fc1_w, fc1_b, fc2_w, fc2_b)

    return (x_out, global_index_template, keep_index_ps, keep_index_s,
            removed_index_ps, removed_index_s, attn)

# --- scband reference (transcript-rebuilt; emitter-appended) ---
"""Pipeline reference for scband-ceblock-88983132439287 (READ-ONLY COPY).

The authoritative reference and input builder live on the scoring server;
editing this copy changes nothing except your own understanding.
"""

import jax, jax.numpy as jnp
import numpy as np
import math

B = 32
LT = 64
LS = 256
N = LT + 2 * LS
C = 768
H = 12
DH = C // H
HID = 3072
KEEP_RATIO = 0.7


def layernorm(x, w, b, eps=1e-5):
    mu = jnp.mean(x, axis=-1, keepdims=True)
    var = jnp.mean((x - mu) ** 2, axis=-1, keepdims=True)
    return (x - mu) / jnp.sqrt(var + eps) * w + b


def setup_inputs(seed: int = 0) -> dict:
    key = jax.random.key(seed)
    ks = jax.random.split(key, 8)
    inp = {}
    inp["x"] = jax.random.normal(ks[0], (B, N, C), dtype=jnp.float32)
    inp["global_index_template"] = jnp.arange(B * LT, dtype=jnp.int32).reshape(B, LT)
    inp["global_index_ps"] = jnp.arange(B * LS, dtype=jnp.int32).reshape(B, LS)
    inp["global_index_search"] = jnp.arange(B * LS, dtype=jnp.int32).reshape(B, LS)
    inp["norm1_w"] = jnp.ones((C,), dtype=jnp.float32)
    inp["norm1_b"] = jnp.zeros((C,), dtype=jnp.float32)
    inp["qkv_w"] = jax.random.normal(ks[1], (3 * C, C), dtype=jnp.float32) * 0.02
    inp["qkv_b"] = jnp.zeros((3 * C,), dtype=jnp.float32)
    inp["proj_w"] = jax.random.normal(ks[2], (C, C), dtype=jnp.float32) * 0.02
    inp["proj_b"] = jnp.zeros((C,), dtype=jnp.float32)
    inp["norm2_w"] = jnp.ones((C,), dtype=jnp.float32)
    inp["norm2_b"] = jnp.zeros((C,), dtype=jnp.float32)
    inp["fc1_w"] = jax.random.normal(ks[3], (HID, C), dtype=jnp.float32) * 0.02
    inp["fc1_b"] = jnp.zeros((HID,), dtype=jnp.float32)
    inp["fc2_w"] = jax.random.normal(ks[4], (C, HID), dtype=jnp.float32) * 0.02
    inp["fc2_b"] = jnp.zeros((C,), dtype=jnp.float32)
    return inp


def reference(x, global_index_template, global_index_ps, global_index_search,
              norm1_w, norm1_b, qkv_w, qkv_b, proj_w, proj_b,
              norm2_w, norm2_b, fc1_w, fc1_b, fc2_w, fc2_b):
    # --- Attention (return_attention=True), mask=None, drop_path=Identity ---
    h = layernorm(x, norm1_w, norm1_b)
    qkv = h @ qkv_w.T + qkv_b                       # [B, N, 3C]
    qkv = qkv.reshape(B, N, 3, H, DH).transpose(2, 0, 3, 1, 4)  # [3, B, H, N, DH]
    q, k, v = qkv[0], qkv[1], qkv[2]
    scale = DH ** -0.5
    attn = jnp.einsum('bhqd,bhkd->bhqk', q, k) * scale
    attn = jax.nn.softmax(attn, axis=-1)            # [B, H, N, N]
    x_attn = jnp.einsum('bhqk,bhkd->bhqd', attn, v)
    x_attn = x_attn.transpose(0, 2, 1, 3).reshape(B, N, C)
    x_attn = x_attn @ proj_w.T + proj_b
    x = x + x_attn

    # --- Candidate elimination (ce_template_mask=None) ---
    lens_keep = math.ceil(KEEP_RATIO * LS)          # 180
    tokens_t = x[:, :LT]
    tokens_ps = x[:, LT:LT + LS]
    tokens_s = x[:, LT + LS:]
    attn_t = attn[:, :, :LT, LT:]                   # [B, H, LT, 2*LS]
    attn_t = attn_t.mean(axis=2).mean(axis=1)       # [B, 2*LS]
    attn_t_ps = attn_t[:, :LS]
    attn_t_s = attn_t[:, LS:]

    idx_ps = jnp.argsort(-attn_t_ps, axis=1)        # descending sort indices
    topk_idx_ps = idx_ps[:, :lens_keep]
    non_topk_idx_ps = idx_ps[:, lens_keep:]
    keep_index_ps = jnp.take_along_axis(global_index_ps, topk_idx_ps, axis=1)
    removed_index_ps = jnp.take_along_axis(global_index_ps, non_topk_idx_ps, axis=1)
    tokens_ps = jnp.take_along_axis(tokens_ps, topk_idx_ps[:, :, None], axis=1)

    idx_s = jnp.argsort(-attn_t_s, axis=1)
    topk_idx_s = idx_s[:, :lens_keep]
    non_topk_idx_s = idx_s[:, lens_keep:]
    keep_index_s = jnp.take_along_axis(global_index_search, topk_idx_s, axis=1)
    removed_index_s = jnp.take_along_axis(global_index_search, non_topk_idx_s, axis=1)
    tokens_s = jnp.take_along_axis(tokens_s, topk_idx_s[:, :, None], axis=1)

    x = jnp.concatenate([tokens_t, tokens_ps, tokens_s], axis=1)  # [B, LT+2*lens_keep, C]

    # --- MLP ---
    h2 = layernorm(x, norm2_w, norm2_b)
    h2 = jax.nn.gelu(h2 @ fc1_w.T + fc1_b, approximate=False)
    h2 = h2 @ fc2_w.T + fc2_b
    x = x + h2

    return (x, global_index_template, keep_index_ps, keep_index_s,
            removed_index_ps, removed_index_s, attn)

if __name__ == "__main__":
    import jax
    _d = setup_inputs()
    print(jax.jit(kernel)(*tuple(_d.values())))

</pallas_src>

<mosaic_0001>
module attributes {stable_mosaic.version = 14 : i64} {
  func.func @_attn_proj_body(%arg0: i32, %arg1: i32, %arg2: memref<1x288x768xf32, #tpu.memory_space<vmem>>, %arg3: memref<1x576x2304xf32, #tpu.memory_space<vmem>>, %arg4: memref<768x768xf32, #tpu.memory_space<vmem>>, %arg5: memref<1x768xf32, #tpu.memory_space<vmem>>, %arg6: memref<1x12x288x576xf32, #tpu.memory_space<vmem>>, %arg7: memref<1x12x288x576xf32, #tpu.memory_space<vmem>>, %arg8: memref<1x288x768xf32, #tpu.memory_space<vmem>>) attributes {dimension_semantics = [#tpu.dimension_semantics<arbitrary>, #tpu.dimension_semantics<arbitrary>], iteration_bounds = array<i64: 32, 2>, scalar_prefetch = 0 : i64, scratch_operands = 0 : i64, tpu.core_type = #tpu.core_type<tc>, window_params = [{transform_indices = @transform_0, window_bounds = array<i64: 1, 288, 768>}, {transform_indices = @transform_1, window_bounds = array<i64: 1, 576, 2304>}, {pipeline_mode = #tpu.pipeline_mode<synchronous>, transform_indices = @transform_2, window_bounds = array<i64: 768, 768>}, {pipeline_mode = #tpu.pipeline_mode<synchronous>, transform_indices = @transform_3, window_bounds = array<i64: 1, 768>}, {transform_indices = @transform_4, window_bounds = array<i64: 1, 12, 288, 576>}, {transform_indices = @transform_5, window_bounds = array<i64: 1, 12, 288, 576>}, {transform_indices = @transform_6, window_bounds = array<i64: 1, 288, 768>}]} {
    %get3A = arith.constant 0 : index
    %get3A_0 = arith.constant 0 : index
    %get3A_1 = arith.constant 0 : index
    %get3A_2 = vector.load %arg3[%get3A, %get3A_0, %get3A_1] : memref<1x576x2304xf32, #tpu.memory_space<vmem>>, vector<1x576x2304xf32>
    %get3A_3 = vector.shape_cast %get3A_2 : vector<1x576x2304xf32> to vector<576x2304xf32>
    %mul3A = arith.constant 288 : i32
    %mul3A_4 = arith.muli %arg1, %mul3A : i32
    %get3A_5 = arith.constant 0 : index
    %get3A_6 = arith.index_cast %mul3A_4 : i32 to index
    %get3A_7 = arith.constant 0 : index
    %get3A_8 = vector.load %arg3[%get3A_5, %get3A_6, %get3A_7] : memref<1x576x2304xf32, #tpu.memory_space<vmem>>, vector<1x288x2304xf32>
    %get3A_9 = vector.shape_cast %get3A_8 : vector<1x288x2304xf32> to vector<288x2304xf32>
    %slice3A = vector.extract_strided_slice %get3A_9 {offsets = [0, 0], sizes = [288, 64], strides = [1, 1]} : vector<288x2304xf32> to vector<288x64xf32>
    %slice3A_10 = vector.extract_strided_slice %get3A_3 {offsets = [0, 768], sizes = [576, 64], strides = [1, 1]} : vector<576x2304xf32> to vector<576x64xf32>
    %slice3A_11 = vector.extract_strided_slice %get3A_3 {offsets = [0, 1536], sizes = [576, 64], strides = [1, 1]} : vector<576x2304xf32> to vector<576x64xf32>
    %dot_general3A = arith.constant dense<0.000000e+00> : vector<288x576xf32>
    %dot_general3A_12 = tpu.matmul %slice3A, %slice3A_10, %dot_general3A {dimension_numbers = #tpu.dot_dimension_numbers<[1], [1], [0], [0], [0, 0, 1, 0], [], []>, transpose_lhs_hint = false} : vector<288x64xf32>, vector<576x64xf32>, vector<288x576xf32> -> vector<288x576xf32>
    %mul3A_13 = arith.constant 1.250000e-01 : f32
    %mul3A_14 = vector.broadcast %mul3A_13 : f32 to vector<288x576xf32>
    %mul3A_15 = arith.mulf %dot_general3A_12, %mul3A_14 : vector<288x576xf32>
    %reduce_max3A = arith.constant dense<0xFF800000> : vector<288xf32>
    %reduce_max3A_16 = vector.multi_reduction <maximumf>, %mul3A_15, %reduce_max3A [1] : vector<288x576xf32> to vector<288xf32>
    %broadcast_in_dim3A = vector.shape_cast %reduce_max3A_16 : vector<288xf32> to vector<288x1xf32>
    %sub3A = vector.broadcast %broadcast_in_dim3A : vector<288x1xf32> to vector<288x576xf32>
    %sub3A_17 = arith.subf %mul3A_15, %sub3A : vector<288x576xf32>
    %exp3A = math.exp %sub3A_17 : vector<288x576xf32>
    %swap3A = arith.constant 0 : index
    %swap3A_18 = arith.constant 0 : index
    %swap3A_19 = arith.constant 0 : index
    %swap3A_20 = arith.constant 0 : index
    %swap3A_21 = vector.load %arg6[%swap3A, %swap3A_18, %swap3A_19, %swap3A_20] : memref<1x12x288x576xf32, #tpu.memory_space<vmem>>, vector<1x1x288x576xf32>
    %swap3A_22 = vector.shape_cast %swap3A_21 : vector<1x1x288x576xf32> to vector<288x576xf32>
    %swap3A_23 = vector.shape_cast %exp3A : vector<288x576xf32> to vector<1x1x288x576xf32>
    tpu.vector_store %arg6[%swap3A, %swap3A_18, %swap3A_19, %swap3A_20], %swap3A_23 {strides = array<i32>} : memref<1x12x288x576xf32, #tpu.memory_space<vmem>>, vector<1x1x288x576xf32>,
    %reduce_sum3A = arith.constant dense<0.000000e+00> : vector<288xf32>
    %reduce_sum3A_24 = vector.multi_reduction <add>, %exp3A, %reduce_sum3A [1] : vector<288x576xf32> to vector<288xf32>
    %broadcast_in_dim3A_25 = vector.shape_cast %reduce_sum3A_24 : vector<288xf32> to vector<288x1xf32>
    %div3A = vector.broadcast %broadcast_in_dim3A_25 : vector<288x1xf32> to vector<288x576xf32>
    %div3A_26 = arith.divf %exp3A, %div3A : vector<288x576xf32>
    %swap3A_27 = arith.constant 0 : index
    %swap3A_28 = arith.constant 0 : index
    %swap3A_29 = arith.constant 0 : index
    %swap3A_30 = arith.constant 0 : index
    %swap3A_31 = vector.load %arg7[%swap3A_27, %swap3A_28, %swap3A_29, %swap3A_30] : memref<1x12x288x576xf32, #tpu.memory_space<vmem>>, vector<1x1x288x576xf32>
    %swap3A_32 = vector.shape_cast %swap3A_31 : vector<1x1x288x576xf32> to vector<288x576xf32>
    %swap3A_33 = vector.shape_cast %div3A_26 : vector<288x576xf32> to vector<1x1x288x576xf32>
    tpu.vector_store %arg7[%swap3A_27, %swap3A_28, %swap3A_29, %swap3A_30], %swap3A_33 {strides = array<i32>} : memref<1x12x288x576xf32, #tpu.memory_space<vmem>>, vector<1x1x288x576xf32>,
    %dot_general3A_34 = arith.constant dense<0.000000e+00> : vector<288x64xf32>
    %dot_general3A_35 = tpu.matmul %div3A_26, %slice3A_11, %dot_general3A_34 {dimension_numbers = #tpu.dot_dimension_numbers<[1], [0], [0], [1], [0, 0, 1, 1], [], []>, transpose_lhs_hint = false} : vector<288x576xf32>, vector<576x64xf32>, vector<288x64xf32> -> vector<288x64xf32>
    %slice3A_36 = vector.extract_strided_slice %get3A_9 {offsets = [0, 64], sizes = [288, 64], strides = [1, 1]} : vector<288x2304xf32> to vector<288x64xf32>
    %slice3A_37 = vector.extract_strided_slice %get3A_3 {offsets = [0, 832], sizes = [576, 64], strides = [1, 1]} : vector<576x2304xf32> to vector<576x64xf32>
    %slice3A_38 = vector.extract_strided_slice %get3A_3 {offsets = [0, 1600], sizes = [576, 64], strides = [1, 1]} : vector<576x2304xf32> to vector<576x64xf32>
    %dot_general3A_39 = arith.constant dense<0.000000e+00> : vector<288x576xf32>
    %dot_general3A_40 = tpu.matmul %slice3A_36, %slice3A_37, %dot_general3A_39 {dimension_numbers = #tpu.dot_dimension_numbers<[1], [1], [0], [0], [0, 0, 1, 0], [], []>, transpose_lhs_hint = false} : vector<288x64xf32>, vector<576x64xf32>, vector<288x576xf32> -> vector<288x576xf32>
    %mul3A_41 = arith.constant 1.250000e-01 : f32
    %mul3A_42 = vector.broadcast %mul3A_41 : f32 to vector<288x576xf32>
    %mul3A_43 = arith.mulf %dot_general3A_40, %mul3A_42 : vector<288x576xf32>
    %reduce_max3A_44 = arith.constant dense<0xFF800000> : vector<288xf32>
    %reduce_max3A_45 = vector.multi_reduction <maximumf>, %mul3A_43, %reduce_max3A_44 [1] : vector<288x576xf32> to vector<288xf32>
    %broadcast_in_dim3A_46 = vector.shape_cast %reduce_max3A_45 : vector<288xf32> to vector<288x1xf32>
    %sub3A_47 = vector.broadcast %broadcast_in_dim3A_46 : vector<288x1xf32> to vector<288x576xf32>
    %sub3A_48 = arith.subf %mul3A_43, %sub3A_47 : vector<288x576xf32>
    %exp3A_49 = math.exp %sub3A_48 : vector<288x576xf32>
    %swap3A_50 = arith.constant 0 : index
    %swap3A_51 = arith.constant 1 : index
    %swap3A_52 = arith.constant 0 : index
    %swap3A_53 = arith.constant 0 : index
    %swap3A_54 = vector.load %arg6[%swap3A_50, %swap3A_51, %swap3A_52, %swap3A_53] : memref<1x12x288x576xf32, #tpu.memory_space<vmem>>, vector<1x1x288x576xf32>
    %swap3A_55 = vector.shape_cast %swap3A_54 : vector<1x1x288x576xf32> to vector<288x576xf32>
    %swap3A_56 = vector.shape_cast %exp3A_49 : vector<288x576xf32> to vector<1x1x288x576xf32>
    tpu.vector_store %arg6[%swap3A_50, %swap3A_51, %swap3A_52, %swap3A_53], %swap3A_56 {strides = array<i32>} : memref<1x12x288x576xf32, #tpu.memory_space<vmem>>, vector<1x1x288x576xf32>,
    %reduce_sum3A_57 = arith.constant dense<0.000000e+00> : vector<288xf32>
    %reduce_sum3A_58 = vector.multi_reduction <add>, %exp3A_49, %reduce_sum3A_57 [1] : vector<288x576xf32> to vector<288xf32>
    %broadcast_in_dim3A_59 = vector.shape_cast %reduce_sum3A_58 : vector<288xf32> to vector<288x1xf32>
    %div3A_60 = vector.broadcast %broadcast_in_dim3A_59 : vector<288x1xf32> to vector<288x576xf32>
    %div3A_61 = arith.divf %exp3A_49, %div3A_60 : vector<288x576xf32>
    %swap3A_62 = arith.constant 0 : index
    %swap3A_63 = arith.constant 1 : index
    %swap3A_64 = arith.constant 0 : index
    %swap3A_65 = arith.constant 0 : index
    %swap3A_66 = vector.load %arg7[%swap3A_62, %swap3A_63, %swap3A_64, %swap3A_65] : memref<1x12x288x576xf32, #tpu.memory_space<vmem>>, vector<1x1x288x576xf32>
    %swap3A_67 = vector.shape_cast %swap3A_66 : vector<1x1x288x576xf32> to vector<288x576xf32>
    %swap3A_68 = vector.shape_cast %div3A_61 : vector<288x576xf32> to vector<1x1x288x576xf32>
    tpu.vector_store %arg7[%swap3A_62, %swap3A_63, %swap3A_64, %swap3A_65], %swap3A_68 {strides = array<i32>} : memref<1x12x288x576xf32, #tpu.memory_space<vmem>>, vector<1x1x288x576xf32>,
    %dot_general3A_69 = arith.constant dense<0.000000e+00> : vector<288x64xf32>
    %dot_general3A_70 = tpu.matmul %div3A_61, %slice3A_38, %dot_general3A_69 {dimension_numbers = #tpu.dot_dimension_numbers<[1], [0], [0], [1], [0, 0, 1, 1], [], []>, transpose_lhs_hint = false} : vector<288x576xf32>, vector<576x64xf32>, vector<288x64xf32> -> vector<288x64xf32>
    %slice3A_71 = vector.extract_strided_slice %get3A_9 {offsets = [0, 128], sizes = [288, 64], strides = [1, 1]} : vector<288x2304xf32> to vector<288x64xf32>
    %slice3A_72 = vector.extract_strided_slice %get3A_3 {offsets = [0, 896], sizes = [576, 64], strides = [1, 1]} : vector<576x2304xf32> to vector<576x64xf32>
    %slice3A_73 = vector.extract_strided_slice %get3A_3 {offsets = [0, 1664], sizes = [576, 64], strides = [1, 1]} : vector<576x2304xf32> to vector<576x64xf32>
    %dot_general3A_74 = arith.constant dense<0.000000e+00> : vector<288x576xf32>
    %dot_general3A_75 = tpu.matmul %slice3A_71, %slice3A_72, %dot_general3A_74 {dimension_numbers = #tpu.dot_dimension_numbers<[1], [1], [0], [0], [0, 0, 1, 0], [], []>, transpose_lhs_hint = false} : vector<288x64xf32>, vector<576x64xf32>, vector<288x576xf32> -> vector<288x576xf32>
    %mul3A_76 = arith.constant 1.250000e-01 : f32
    %mul3A_77 = vector.broadcast %mul3A_76 : f32 to vector<288x576xf32>
    %mul3A_78 = arith.mulf %dot_general3A_75, %mul3A_77 : vector<288x576xf32>
    %reduce_max3A_79 = arith.constant dense<0xFF800000> : vector<288xf32>
    %reduce_max3A_80 = vector.multi_reduction <maximumf>, %mul3A_78, %reduce_max3A_79 [1] : vector<288x576xf32> to vector<288xf32>
    %broadcast_in_dim3A_81 = vector.shape_cast %reduce_max3A_80 : vector<288xf32> to vector<288x1xf32>
    %sub3A_82 = vector.broadcast %broadcast_in_dim3A_81 : vector<288x1xf32> to vector<288x576xf32>
    %sub3A_83 = arith.subf %mul3A_78, %sub3A_82 : vector<288x576xf32>
    %exp3A_84 = math.exp %sub3A_83 : vector<288x576xf32>
    %swap3A_85 = arith.constant 0 : index
    %swap3A_86 = arith.constant 2 : index
    %swap3A_87 = arith.constant 0 : index
    %swap3A_88 = arith.constant 0 : index
    %swap3A_89 = vector.load %arg6[%swap3A_85, %swap3A_86, %swap3A_87, %swap3A_88] : memref<1x12x288x576xf32, #tpu.memory_space<vmem>>, vector<1x1x288x576xf32>
    %swap3A_90 = vector.shape_cast %swap3A_89 : vector<1x1x288x576xf32> to vector<288x576xf32>
    %swap3A_91 = vector.shape_cast %exp3A_84 : vector<288x576xf32> to vector<1x1x288x576xf32>
    tpu.vector_store %arg6[%swap3A_85, %swap3A_86, %swap3A_87, %swap3A_88], %swap3A_91 {strides = array<i32>} : memref<1x12x288x576xf32, #tpu.memory_space<vmem>>, vector<1x1x288x576xf32>,
    %reduce_sum3A_92 = arith.constant dense<0.000000e+00> : vector<288xf32>
    %reduce_sum3A_93 = vector.multi_reduction <add>, %exp3A_84, %reduce_sum3A_92 [1] : vector<288x576xf32> to vector<288xf32>
    %broadcast_in_dim3A_94 = vector.shape_cast %reduce_sum3A_93 : vector<288xf32> to vector<288x1xf32>
    %div3A_95 = vector.broadcast %broadcast_in_dim3A_94 : vector<288x1xf32> to vector<288x576xf32>
    %div3A_96 = arith.divf %exp3A_84, %div3A_95 : vector<288x576xf32>
    %swap3A_97 = arith.constant 0 : index
    %swap3A_98 = arith.constant 2 : index
    %swap3A_99 = arith.constant 0 : index
    %swap3A_100 = arith.constant 0 : index
    %swap3A_101 = vector.load %arg7[%swap3A_97, %swap3A_98, %swap3A_99, %swap3A_100] : memref<1x12x288x576xf32, #tpu.memory_space<vmem>>, vector<1x1x288x576xf32>
    %swap3A_102 = vector.shape_cast %swap3A_101 : vector<1x1x288x576xf32> to vector<288x576xf32>
    %swap3A_103 = vector.shape_cast %div3A_96 : vector<288x576xf32> to vector<1x1x288x576xf32>
    tpu.vector_store %arg7[%swap3A_97, %swap3A_98, %swap3A_99, %swap3A_100], %swap3A_103 {strides = array<i32>} : memref<1x12x288x576xf32, #tpu.memory_space<vmem>>, vector<1x1x288x576xf32>,
    %dot_general3A_104 = arith.constant dense<0.000000e+00> : vector<288x64xf32>
    %dot_general3A_105 = tpu.matmul %div3A_96, %slice3A_73, %dot_general3A_104 {dimension_numbers = #tpu.dot_dimension_numbers<[1], [0], [0], [1], [0, 0, 1, 1], [], []>, transpose_lhs_hint = false} : vector<288x576xf32>, vector<576x64xf32>, vector<288x64xf32> -> vector<288x64xf32>
    %slice3A_106 = vector.extract_strided_slice %get3A_9 {offsets = [0, 192], sizes = [288, 64], strides = [1, 1]} : vector<288x2304xf32> to vector<288x64xf32>
    %slice3A_107 = vector.extract_strided_slice %get3A_3 {offsets = [0, 960], sizes = [576, 64], strides = [1, 1]} : vector<576x2304xf32> to vector<576x64xf32>
    %slice3A_108 = vector.extract_strided_slice %get3A_3 {offsets = [0, 1728], sizes = [576, 64], strides = [1, 1]} : vector<576x2304xf32> to vector<576x64xf32>
    %dot_general3A_109 = arith.constant dense<0.000000e+00> : vector<288x576xf32>
    %dot_general3A_110 = tpu.matmul %slice3A_106, %slice3A_107, %dot_general3A_109 {dimension_numbers = #tpu.dot_dimension_numbers<[1], [1], [0], [0], [0, 0, 1, 0], [], []>, transpose_lhs_hint = false} : vector<288x64xf32>, vector<576x64xf32>, vector<288x576xf32> -> vector<288x576xf32>
    %mul3A_111 = arith.constant 1.250000e-01 : f32
    %mul3A_112 = vector.broadcast %mul3A_111 : f32 to vector<288x576xf32>
    %mul3A_113 = arith.mulf %dot_general3A_110, %mul3A_112 : vector<288x576xf32>
    %reduce_max3A_114 = arith.constant dense<0xFF800000> : vector<288xf32>
    %reduce_max3A_115 = vector.multi_reduction <maximumf>, %mul3A_113, %reduce_max3A_114 [1] : vector<288x576xf32> to vector<288xf32>
    %broadcast_in_dim3A_116 = vector.shape_cast %reduce_max3A_115 : vector<288xf32> to vector<288x1xf32>
    %sub3A_117 = vector.broadcast %broadcast_in_dim3A_116 : vector<288x1xf32> to vector<288x576xf32>
    %sub3A_118 = arith.subf %mul3A_113, %sub3A_117 : vector<288x576xf32>
    %exp3A_119 = math.exp %sub3A_118 : vector<288x576xf32>
    %swap3A_120 = arith.constant 0 : index
    %swap3A_121 = arith.constant 3 : index
    %swap3A_122 = arith.constant 0 : index
    %swap3A_123 = arith.constant 0 : index
    %swap3A_124 = vector.load %arg6[%swap3A_120, %swap3A_121, %swap3A_122, %swap3A_123] : memref<1x12x288x576xf32, #tpu.memory_space<vmem>>, vector<1x1x288x576xf32>
    %swap3A_125 = vector.shape_cast %swap3A_124 : vector<1x1x288x576xf32> to vector<288x576xf32>
    %swap3A_126 = vector.shape_cast %exp3A_119 : vector<288x576xf32> to vector<1x1x288x576xf32>
    tpu.vector_store %arg6[%swap3A_120, %swap3A_121, %swap3A_122, %swap3A_123], %swap3A_126 {strides = array<i32>} : memref<1x12x288x576xf32, #tpu.memory_space<vmem>>, vector<1x1x288x576xf32>,
    %reduce_sum3A_127 = arith.constant dense<0.000000e+00> : vector<288xf32>
    %reduce_sum3A_128 = vector.multi_reduction <add>, %exp3A_119, %reduce_sum3A_127 [1] : vector<288x576xf32> to vector<288xf32>
    %broadcast_in_dim3A_129 = vector.shape_cast %reduce_sum3A_128 : vector<288xf32> to vector<288x1xf32>
    %div3A_130 = vector.broadcast %broadcast_in_dim3A_129 : vector<288x1xf32> to vector<288x576xf32>
    %div3A_131 = arith.divf %exp3A_119, %div3A_130 : vector<288x576xf32>
    %swap3A_132 = arith.constant 0 : index
    %swap3A_133 = arith.constant 3 : index
    %swap3A_134 = arith.constant 0 : index
    %swap3A_135 = arith.constant 0 : index
    %swap3A_136 = vector.load %arg7[%swap3A_132, %swap3A_133, %swap3A_134, %swap3A_135] : memref<1x12x288x576xf32, #tpu.memory_space<vmem>>, vector<1x1x288x576xf32>
    %swap3A_137 = vector.shape_cast %swap3A_136 : vector<1x1x288x576xf32> to vector<288x576xf32>
    %swap3A_138 = vector.shape_cast %div3A_131 : vector<288x576xf32> to vector<1x1x288x576xf32>
    tpu.vector_store %arg7[%swap3A_132, %swap3A_133, %swap3A_134, %swap3A_135], %swap3A_138 {strides = array<i32>} : memref<1x12x288x576xf32, #tpu.memory_space<vmem>>, vector<1x1x288x576xf32>,
    %dot_general3A_139 = arith.constant dense<0.000000e+00> : vector<288x64xf32>
    %dot_general3A_140 = tpu.matmul %div3A_131, %slice3A_108, %dot_general3A_139 {dimension_numbers = #tpu.dot_dimension_numbers<[1], [0], [0], [1], [0, 0, 1, 1], [], []>, transpose_lhs_hint = false} : vector<288x576xf32>, vector<576x64xf32>, vector<288x64xf32> -> vector<288x64xf32>
    %slice3A_141 = vector.extract_strided_slice %get3A_9 {offsets = [0, 256], sizes = [288, 64], strides = [1, 1]} : vector<288x2304xf32> to vector<288x64xf32>
    %slice3A_142 = vector.extract_strided_slice %get3A_3 {offsets = [0, 1024], sizes = [576, 64], strides = [1, 1]} : vector<576x2304xf32> to vector<576x64xf32>
    %slice3A_143 = vector.extract_strided_slice %get3A_3 {offsets = [0, 1792], sizes = [576, 64], strides = [1, 1]} : vector<576x2304xf32> to vector<576x64xf32>
    %dot_general3A_144 = arith.constant dense<0.000000e+00> : vector<288x576xf32>
    %dot_general3A_145 = tpu.matmul %slice3A_141, %slice3A_142, %dot_general3A_144 {dimension_numbers = #tpu.dot_dimension_numbers<[1], [1], [0], [0], [0, 0, 1, 0], [], []>, transpose_lhs_hint = false} : vector<288x64xf32>, vector<576x64xf32>, vector<288x576xf32> -> vector<288x576xf32>
    %mul3A_146 = arith.constant 1.250000e-01 : f32
    %mul3A_147 = vector.broadcast %mul3A_146 : f32 to vector<288x576xf32>
    %mul3A_148 = arith.mulf %dot_general3A_145, %mul3A_147 : vector<288x576xf32>
    %reduce_max3A_149 = arith.constant dense<0xFF800000> : vector<288xf32>
    %reduce_max3A_150 = vector.multi_reduction <maximumf>, %mul3A_148, %reduce_max3A_149 [1] : vector<288x576xf32> to vector<288xf32>
    %broadcast_in_dim3A_151 = vector.shape_cast %reduce_max3A_150 : vector<288xf32> to vector<288x1xf32>
    %sub3A_152 = vector.broadcast %broadcast_in_dim3A_151 : vector<288x1xf32> to vector<288x576xf32>
    %sub3A_153 = arith.subf %mul3A_148, %sub3A_152 : vector<288x576xf32>
    %exp3A_154 = math.exp %sub3A_153 : vector<288x576xf32>
    %swap3A_155 = arith.constant 0 : index
    %swap3A_156 = arith.constant 4 : index
    %swap3A_157 = arith.constant 0 : index
    %swap3A_158 = arith.constant 0 : index
    %swap3A_159 = vector.load %arg6[%swap3A_155, %swap3A_156, %swap3A_157, %swap3A_158] : memref<1x12x288x576xf32, #tpu.memory_space<vmem>>, vector<1x1x288x576xf32>
    %swap3A_160 = vector.shape_cast %swap3A_159 : vector<1x1x288x576xf32> to vector<288x576xf32>
    %swap3A_161 = vector.shape_cast %exp3A_154 : vector<288x576xf32> to vector<1x1x288x576xf32>
    tpu.vector_store %arg6[%swap3A_155, %swap3A_156, %swap3A_157, %swap3A_158], %swap3A_161 {strides = array<i32>} : memref<1x12x288x576xf32, #tpu.memory_space<vmem>>, vector<1x1x288x576xf32>,
    %reduce_sum3A_162 = arith.constant dense<0.000000e+00> : vector<288xf32>
    %reduce_sum3A_163 = vector.multi_reduction <add>, %exp3A_154, %reduce_sum3A_162 [1] : vector<288x576xf32> to vector<288xf32>
    %broadcast_in_dim3A_164 = vector.shape_cast %reduce_sum3A_163 : vector<288xf32> to vector<288x1xf32>
    %div3A_165 = vector.broadcast %broadcast_in_dim3A_164 : vector<288x1xf32> to vector<288x576xf32>
    %div3A_166 = arith.divf %exp3A_154, %div3A_165 : vector<288x576xf32>
    %swap3A_167 = arith.constant 0 : index
    %swap3A_168 = arith.constant 4 : index
    %swap3A_169 = arith.constant 0 : index
    %swap3A_170 = arith.constant 0 : index
    %swap3A_171 = vector.load %arg7[%swap3A_167, %swap3A_168, %swap3A_169, %swap3A_170] : memref<1x12x288x576xf32, #tpu.memory_space<vmem>>, vector<1x1x288x576xf32>
    %swap3A_172 = vector.shape_cast %swap3A_171 : vector<1x1x288x576xf32> to vector<288x576xf32>
    %swap3A_173 = vector.shape_cast %div3A_166 : vector<288x576xf32> to vector<1x1x288x576xf32>
    tpu.vector_store %arg7[%swap3A_167, %swap3A_168, %swap3A_169, %swap3A_170], %swap3A_173 {strides = array<i32>} : memref<1x12x288x576xf32, #tpu.memory_space<vmem>>, vector<1x1x288x576xf32>,
    %dot_general3A_174 = arith.constant dense<0.000000e+00> : vector<288x64xf32>
    %dot_general3A_175 = tpu.matmul %div3A_166, %slice3A_143, %dot_general3A_174 {dimension_numbers = #tpu.dot_dimension_numbers<[1], [0], [0], [1], [0, 0, 1, 1], [], []>, transpose_lhs_hint = false} : vector<288x576xf32>, vector<576x64xf32>, vector<288x64xf32> -> vector<288x64xf32>
    %slice3A_176 = vector.extract_strided_slice %get3A_9 {offsets = [0, 320], sizes = [288, 64], strides = [1, 1]} : vector<288x2304xf32> to vector<288x64xf32>
    %slice3A_177 = vector.extract_strided_slice %get3A_3 {offsets = [0, 1088], sizes = [576, 64], strides = [1, 1]} : vector<576x2304xf32> to vector<576x64xf32>
    %slice3A_178 = vector.extract_strided_slice %get3A_3 {offsets = [0, 1856], sizes = [576, 64], strides = [1, 1]} : vector<576x2304xf32> to vector<576x64xf32>
    %dot_general3A_179 = arith.constant dense<0.000000e+00> : vector<288x576xf32>
    %dot_general3A_180 = tpu.matmul %slice3A_176, %slice3A_177, %dot_general3A_179 {dimension_numbers = #tpu.dot_dimension_numbers<[1], [1], [0], [0], [0, 0, 1, 0], [], []>, transpose_lhs_hint = false} : vector<288x64xf32>, vector<576x64xf32>, vector<288x576xf32> -> vector<288x576xf32>
    %mul3A_181 = arith.constant 1.250000e-01 : f32
    %mul3A_182 = vector.broadcast %mul3A_181 : f32 to vector<288x576xf32>
    %mul3A_183 = arith.mulf %dot_general3A_180, %mul3A_182 : vector<288x576xf32>
    %reduce_max3A_184 = arith.constant dense<0xFF800000> : vector<288xf32>
    %reduce_max3A_185 = vector.multi_reduction <maximumf>, %mul3A_183, %reduce_max3A_184 [1] : vector<288x576xf32> to vector<288xf32>
    %broadcast_in_dim3A_186 = vector.shape_cast %reduce_max3A_185 : vector<288xf32> to vector<288x1xf32>
    %sub3A_187 = vector.broadcast %broadcast_in_dim3A_186 : vector<288x1xf32> to vector<288x576xf32>
    %sub3A_188 = arith.subf %mul3A_183, %sub3A_187 : vector<288x576xf32>
    %exp3A_189 = math.exp %sub3A_188 : vector<288x576xf32>
    %swap3A_190 = arith.constant 0 : index
    %swap3A_191 = arith.constant 5 : index
    %swap3A_192 = arith.constant 0 : index
    %swap3A_193 = arith.constant 0 : index
    %swap3A_194 = vector.load %arg6[%swap3A_190, %swap3A_191, %swap3A_192, %swap3A_193] : memref<1x12x288x576xf32, #tpu.memory_space<vmem>>, vector<1x1x288x576xf32>
    %swap3A_195 = vector.shape_cast %swap3A_194 : vector<1x1x288x576xf32> to vector<288x576xf32>
    %swap3A_196 = vector.shape_cast %exp3A_189 : vector<288x576xf32> to vector<1x1x288x576xf32>
    tpu.vector_store %arg6[%swap3A_190, %swap3A_191, %swap3A_192, %swap3A_193], %swap3A_196 {strides = array<i32>} : memref<1x12x288x576xf32, #tpu.memory_space<vmem>>, vector<1x1x288x576xf32>,
    %reduce_sum3A_197 = arith.constant dense<0.000000e+00> : vector<288xf32>
    %reduce_sum3A_198 = vector.multi_reduction <add>, %exp3A_189, %reduce_sum3A_197 [1] : vector<288x576xf32> to vector<288xf32>
    %broadcast_in_dim3A_199 = vector.shape_cast %reduce_sum3A_198 : vector<288xf32> to vector<288x1xf32>
    %div3A_200 = vector.broadcast %broadcast_in_dim3A_199 : vector<288x1xf32> to vector<288x576xf32>
    %div3A_201 = arith.divf %exp3A_189, %div3A_200 : vector<288x576xf32>
    %swap3A_202 = arith.constant 0 : index
    %swap3A_203 = arith.constant 5 : index
    %swap3A_204 = arith.constant 0 : index
    %swap3A_205 = arith.constant 0 : index
    %swap3A_206 = vector.load %arg7[%swap3A_202, %swap3A_203, %swap3A_204, %swap3A_205] : memref<1x12x288x576xf32, #tpu.memory_space<vmem>>, vector<1x1x288x576xf32>
    %swap3A_207 = vector.shape_cast %swap3A_206 : vector<1x1x288x576xf32> to vector<288x576xf32>
    %swap3A_208 = vector.shape_cast %div3A_201 : vector<288x576xf32> to vector<1x1x288x576xf32>
    tpu.vector_store %arg7[%swap3A_202, %swap3A_203, %swap3A_204, %swap3A_205], %swap3A_208 {strides = array<i32>} : memref<1x12x288x576xf32, #tpu.memory_space<vmem>>, vector<1x1x288x576xf32>,
    %dot_general3A_209 = arith.constant dense<0.000000e+00> : vector<288x64xf32>
    %dot_general3A_210 = tpu.matmul %div3A_201, %slice3A_178, %dot_general3A_209 {dimension_numbers = #tpu.dot_dimension_numbers<[1], [0], [0], [1], [0, 0, 1, 1], [], []>, transpose_lhs_hint = false} : vector<288x576xf32>, vector<576x64xf32>, vector<288x64xf32> -> vector<288x64xf32>
    %slice3A_211 = vector.extract_strided_slice %get3A_9 {offsets = [0, 384], sizes = [288, 64], strides = [1, 1]} : vector<288x2304xf32> to vector<288x64xf32>
    %slice3A_212 = vector.extract_strided_slice %get3A_3 {offsets = [0, 1152], sizes = [576, 64], strides = [1, 1]} : vector<576x2304xf32> to vector<576x64xf32>
    %slice3A_213 = vector.extract_strided_slice %get3A_3 {offsets = [0, 1920], sizes = [576, 64], strides = [1, 1]} : vector<576x2304xf32> to vector<576x64xf32>
    %dot_general3A_214 = arith.constant dense<0.000000e+00> : vector<288x576xf32>
    %dot_general3A_215 = tpu.matmul %slice3A_211, %slice3A_212, %dot_general3A_214 {dimension_numbers = #tpu.dot_dimension_numbers<[1], [1], [0], [0], [0, 0, 1, 0], [], []>, transpose_lhs_hint = false} : vector<288x64xf32>, vector<576x64xf32>, vector<288x576xf32> -> vector<288x576xf32>
    %mul3A_216 = arith.constant 1.250000e-01 : f32
    %mul3A_217 = vector.broadcast %mul3A_216 : f32 to vector<288x576xf32>
    %mul3A_218 = arith.mulf %dot_general3A_215, %mul3A_217 : vector<288x576xf32>
    %reduce_max3A_219 = arith.constant dense<0xFF800000> : vector<288xf32>
    %reduce_max3A_220 = vector.multi_reduction <maximumf>, %mul3A_218, %reduce_max3A_219 [1] : vector<288x576xf32> to vector<288xf32>
    %broadcast_in_dim3A_221 = vector.shape_cast %reduce_max3A_220 : vector<288xf32> to vector<288x1xf32>
    %sub3A_222 = vector.broadcast %broadcast_in_dim3A_221 : vector<288x1xf32> to vector<288x576xf32>
    %sub3A_223 = arith.subf %mul3A_218, %sub3A_222 : vector<288x576xf32>
    %exp3A_224 = math.exp %sub3A_223 : vector<288x576xf32>
    %swap3A_225 = arith.constant 0 : index
    %swap3A_226 = arith.constant 6 : index
    %swap3A_227 = arith.constant 0 : index
    %swap3A_228 = arith.constant 0 : index
    %swap3A_229 = vector.load %arg6[%swap3A_225, %swap3A_226, %swap3A_227, %swap3A_228] : memref<1x12x288x576xf32, #tpu.memory_space<vmem>>, vector<1x1x288x576xf32>
    %swap3A_230 = vector.shape_cast %swap3A_229 : vector<1x1x288x576xf32> to vector<288x576xf32>
    %swap3A_231 = vector.shape_cast %exp3A_224 : vector<288x576xf32> to vector<1x1x288x576xf32>
    tpu.vector_store %arg6[%swap3A_225, %swap3A_226, %swap3A_227, %swap3A_228], %swap3A_231 {strides = array<i32>} : memref<1x12x288x576xf32, #tpu.memory_space<vmem>>, vector<1x1x288x576xf32>,
    %reduce_sum3A_232 = arith.constant dense<0.000000e+00> : vector<288xf32>
    %reduce_sum3A_233 = vector.multi_reduction <add>, %exp3A_224, %reduce_sum3A_232 [1] : vector<288x576xf32> to vector<288xf32>
    %broadcast_in_dim3A_234 = vector.shape_cast %reduce_sum3A_233 : vector<288xf32> to vector<288x1xf32>
    %div3A_235 = vector.broadcast %broadcast_in_dim3A_234 : vector<288x1xf32> to vector<288x576xf32>
    %div3A_236 = arith.divf %exp3A_224, %div3A_235 : vector<288x576xf32>
    %swap3A_237 = arith.constant 0 : index
    %swap3A_238 = arith.constant 6 : index
    %swap3A_239 = arith.constant 0 : index
    %swap3A_240 = arith.constant 0 : index
    %swap3A_241 = vector.load %arg7[%swap3A_237, %swap3A_238, %swap3A_239, %swap3A_240] : memref<1x12x288x576xf32, #tpu.memory_space<vmem>>, vector<1x1x288x576xf32>
    %swap3A_242 = vector.shape_cast %swap3A_241 : vector<1x1x288x576xf32> to vector<288x576xf32>
    %swap3A_243 = vector.shape_cast %div3A_236 : vector<288x576xf32> to vector<1x1x288x576xf32>
    tpu.vector_store %arg7[%swap3A_237, %swap3A_238, %swap3A_239, %swap3A_240], %swap3A_243 {strides = array<i32>} : memref<1x12x288x576xf32, #tpu.memory_space<vmem>>, vector<1x1x288x576xf32>,
    %dot_general3A_244 = arith.constant dense<0.000000e+00> : vector<288x64xf32>
    %dot_general3A_245 = tpu.matmul %div3A_236, %slice3A_213, %dot_general3A_244 {dimension_numbers = #tpu.dot_dimension_numbers<[1], [0], [0], [1], [0, 0, 1, 1], [], []>, transpose_lhs_hint = false} : vector<288x576xf32>, vector<576x64xf32>, vector<288x64xf32> -> vector<288x64xf32>
    %slice3A_246 = vector.extract_strided_slice %get3A_9 {offsets = [0, 448], sizes = [288, 64], strides = [1, 1]} : vector<288x2304xf32> to vector<288x64xf32>
    %slice3A_247 = vector.extract_strided_slice %get3A_3 {offsets = [0, 1216], sizes = [576, 64], strides = [1, 1]} : vector<576x2304xf32> to vector<576x64xf32>
    %slice3A_248 = vector.extract_strided_slice %get3A_3 {offsets = [0, 1984], sizes = [576, 64], strides = [1, 1]} : vector<576x2304xf32> to vector<576x64xf32>
    %dot_general3A_249 = arith.constant dense<0.000000e+00> : vector<288x576xf32>
    %dot_general3A_250 = tpu.matmul %slice3A_246, %slice3A_247, %dot_general3A_249 {dimension_numbers = #tpu.dot_dimension_numbers<[1], [1], [0], [0], [0, 0, 1, 0], [], []>, transpose_lhs_hint = false} : vector<288x64xf32>, vector<576x64xf32>, vector<288x576xf32> -> vector<288x576xf32>
    %mul3A_251 = arith.constant 1.250000e-01 : f32
    %mul3A_252 = vector.broadcast %mul3A_251 : f32 to vector<288x576xf32>
    %mul3A_253 = arith.mulf %dot_general3A_250, %mul3A_252 : vector<288x576xf32>
    %reduce_max3A_254 = arith.constant dense<0xFF800000> : vector<288xf32>
    %reduce_max3A_255 = vector.multi_reduction <maximumf>, %mul3A_253, %reduce_max3A_254 [1] : vector<288x576xf32> to vector<288xf32>
    %broadcast_in_dim3A_256 = vector.shape_cast %reduce_max3A_255 : vector<288xf32> to vector<288x1xf32>
    %sub3A_257 = vector.broadcast %broadcast_in_dim3A_256 : vector<288x1xf32> to vector<288x576xf32>
    %sub3A_258 = arith.subf %mul3A_253, %sub3A_257 : vector<288x576xf32>
    %exp3A_259 = math.exp %sub3A_258 : vector<288x576xf32>
    %swap3A_260 = arith.constant 0 : index
    %swap3A_261 = arith.constant 7 : index
    %swap3A_262 = arith.constant 0 : index
    %swap3A_263 = arith.constant 0 : index
    %swap3A_264 = vector.load %arg6[%swap3A_260, %swap3A_261, %swap3A_262, %swap3A_263] : memref<1x12x288x576xf32, #tpu.memory_space<vmem>>, vector<1x1x288x576xf32>
    %swap3A_265 = vector.shape_cast %swap3A_264 : vector<1x1x288x576xf32> to vector<288x576xf32>
    %swap3A_266 = vector.shape_cast %exp3A_259 : vector<288x576xf32> to vector<1x1x288x576xf32>
    tpu.vector_store %arg6[%swap3A_260, %swap3A_261, %swap3A_262, %swap3A_263], %swap3A_266 {strides = array<i32>} : memref<1x12x288x576xf32, #tpu.memory_space<vmem>>, vector<1x1x288x576xf32>,
    %reduce_sum3A_267 = arith.constant dense<0.000000e+00> : vector<288xf32>
    %reduce_sum3A_268 = vector.multi_reduction <add>, %exp3A_259, %reduce_sum3A_267 [1] : vector<288x576xf32> to vector<288xf32>
    %broadcast_in_dim3A_269 = vector.shape_cast %reduce_sum3A_268 : vector<288xf32> to vector<288x1xf32>
    %div3A_270 = vector.broadcast %broadcast_in_dim3A_269 : vector<288x1xf32> to vector<288x576xf32>
    %div3A_271 = arith.divf %exp3A_259, %div3A_270 : vector<288x576xf32>
    %swap3A_272 = arith.constant 0 : index
    %swap3A_273 = arith.constant 7 : index
    %swap3A_274 = arith.constant 0 : index
    %swap3A_275 = arith.constant 0 : index
    %swap3A_276 = vector.load %arg7[%swap3A_272, %swap3A_273, %swap3A_274, %swap3A_275] : memref<1x12x288x576xf32, #tpu.memory_space<vmem>>, vector<1x1x288x576xf32>
    %swap3A_277 = vector.shape_cast %swap3A_276 : vector<1x1x288x576xf32> to vector<288x576xf32>
    %swap3A_278 = vector.shape_cast %div3A_271 : vector<288x576xf32> to vector<1x1x288x576xf32>
    tpu.vector_store %arg7[%swap3A_272, %swap3A_273, %swap3A_274, %swap3A_275], %swap3A_278 {strides = array<i32>} : memref<1x12x288x576xf32, #tpu.memory_space<vmem>>, vector<1x1x288x576xf32>,
    %dot_general3A_279 = arith.constant dense<0.000000e+00> : vector<288x64xf32>
    %dot_general3A_280 = tpu.matmul %div3A_271, %slice3A_248, %dot_general3A_279 {dimension_numbers = #tpu.dot_dimension_numbers<[1], [0], [0], [1], [0, 0, 1, 1], [], []>, transpose_lhs_hint = false} : vector<288x576xf32>, vector<576x64xf32>, vector<288x64xf32> -> vector<288x64xf32>
    %slice3A_281 = vector.extract_strided_slice %get3A_9 {offsets = [0, 512], sizes = [288, 64], strides = [1, 1]} : vector<288x2304xf32> to vector<288x64xf32>
    %slice3A_282 = vector.extract_strided_slice %get3A_3 {offsets = [0, 1280], sizes = [576, 64], strides = [1, 1]} : vector<576x2304xf32> to vector<576x64xf32>
    %slice3A_283 = vector.extract_strided_slice %get3A_3 {offsets = [0, 2048], sizes = [576, 64], strides = [1, 1]} : vector<576x2304xf32> to vector<576x64xf32>
    %dot_general3A_284 = arith.constant dense<0.000000e+00> : vector<288x576xf32>
    %dot_general3A_285 = tpu.matmul %slice3A_281, %slice3A_282, %dot_general3A_284 {dimension_numbers = #tpu.dot_dimension_numbers<[1], [1], [0], [0], [0, 0, 1, 0], [], []>, transpose_lhs_hint = false} : vector<288x64xf32>, vector<576x64xf32>, vector<288x576xf32> -> vector<288x576xf32>
    %mul3A_286 = arith.constant 1.250000e-01 : f32
    %mul3A_287 = vector.broadcast %mul3A_286 : f32 to vector<288x576xf32>
    %mul3A_288 = arith.mulf %dot_general3A_285, %mul3A_287 : vector<288x576xf32>
    %reduce_max3A_289 = arith.constant dense<0xFF800000> : vector<288xf32>
    %reduce_max3A_290 = vector.multi_reduction <maximumf>, %mul3A_288, %reduce_max3A_289 [1] : vector<288x576xf32> to vector<288xf32>
    %broadcast_in_dim3A_291 = vector.shape_cast %reduce_max3A_290 : vector<288xf32> to vector<288x1xf32>
    %sub3A_292 = vector.broadcast %broadcast_in_dim3A_291 : vector<288x1xf32> to vector<288x576xf32>
    %sub3A_293 = arith.subf %mul3A_288, %sub3A_292 : vector<288x576xf32>
    %exp3A_294 = math.exp %sub3A_293 : vector<288x576xf32>
    %swap3A_295 = arith.constant 0 : index
    %swap3A_296 = arith.constant 8 : index
    %swap3A_297 = arith.constant 0 : index
    %swap3A_298 = arith.constant 0 : index
    %swap3A_299 = vector.load %arg6[%swap3A_295, %swap3A_296, %swap3A_297, %swap3A_298] : memref<1x12x288x576xf32, #tpu.memory_space<vmem>>, vector<1x1x288x576xf32>
    %swap3A_300 = vector.shape_cast %swap3A_299 : vector<1x1x288x576xf32> to vector<288x576xf32>
    %swap3A_301 = vector.shape_cast %exp3A_294 : vector<288x576xf32> to vector<1x1x288x576xf32>
    tpu.vector_store %arg6[%swap3A_295, %swap3A_296, %swap3A_297, %swap3A_298], %swap3A_301 {strides = array<i32>} : memref<1x12x288x576xf32, #tpu.memory_space<vmem>>, vector<1x1x288x576xf32>,
    %reduce_sum3A_302 = arith.constant dense<0.000000e+00> : vector<288xf32>
    %reduce_sum3A_303 = vector.multi_reduction <add>, %exp3A_294, %reduce_sum3A_302 [1] : vector<288x576xf32> to vector<288xf32>
    %broadcast_in_dim3A_304 = vector.shape_cast %reduce_sum3A_303 : vector<288xf32> to vector<288x1xf32>
    %div3A_305 = vector.broadcast %broadcast_in_dim3A_304 : vector<288x1xf32> to vector<288x576xf32>
    %div3A_306 = arith.divf %exp3A_294, %div3A_305 : vector<288x576xf32>
    %swap3A_307 = arith.constant 0 : index
    %swap3A_308 = arith.constant 8 : index
    %swap3A_309 = arith.constant 0 : index
    %swap3A_310 = arith.constant 0 : index
    %swap3A_311 = vector.load %arg7[%swap3A_307, %swap3A_308, %swap3A_309, %swap3A_310] : memref<1x12x288x576xf32, #tpu.memory_space<vmem>>, vector<1x1x288x576xf32>
    %swap3A_312 = vector.shape_cast %swap3A_311 : vector<1x1x288x576xf32> to vector<288x576xf32>
    %swap3A_313 = vector.shape_cast %div3A_306 : vector<288x576xf32> to vector<1x1x288x576xf32>
    tpu.vector_store %arg7[%swap3A_307, %swap3A_308, %swap3A_309, %swap3A_310], %swap3A_313 {strides = array<i32>} : memref<1x12x288x576xf32, #tpu.memory_space<vmem>>, vector<1x1x288x576xf32>,
    %dot_general3A_314 = arith.constant dense<0.000000e+00> : vector<288x64xf32>
    %dot_general3A_315 = tpu.matmul %div3A_306, %slice3A_283, %dot_general3A_314 {dimension_numbers = #tpu.dot_dimension_numbers<[1], [0], [0], [1], [0, 0, 1, 1], [], []>, transpose_lhs_hint = false} : vector<288x576xf32>, vector<576x64xf32>, vector<288x64xf32> -> vector<288x64xf32>
    %slice3A_316 = vector.extract_strided_slice %get3A_9 {offsets = [0, 576], sizes = [288, 64], strides = [1, 1]} : vector<288x2304xf32> to vector<288x64xf32>
    %slice3A_317 = vector.extract_strided_slice %get3A_3 {offsets = [0, 1344], sizes = [576, 64], strides = [1, 1]} : vector<576x2304xf32> to vector<576x64xf32>
    %slice3A_318 = vector.extract_strided_slice %get3A_3 {offsets = [0, 2112], sizes = [576, 64], strides = [1, 1]} : vector<576x2304xf32> to vector<576x64xf32>
    %dot_general3A_319 = arith.constant dense<0.000000e+00> : vector<288x576xf32>
    %dot_general3A_320 = tpu.matmul %slice3A_316, %slice3A_317, %dot_general3A_319 {dimension_numbers = #tpu.dot_dimension_numbers<[1], [1], [0], [0], [0, 0, 1, 0], [], []>, transpose_lhs_hint = false} : vector<288x64xf32>, vector<576x64xf32>, vector<288x576xf32> -> vector<288x576xf32>
    %mul3A_321 = arith.constant 1.250000e-01 : f32
    %mul3A_322 = vector.broadcast %mul3A_321 : f32 to vector<288x576xf32>
    %mul3A_323 = arith.mulf %dot_general3A_320, %mul3A_322 : vector<288x576xf32>
    %reduce_max3A_324 = arith.constant dense<0xFF800000> : vector<288xf32>
    %reduce_max3A_325 = vector.multi_reduction <maximumf>, %mul3A_323, %reduce_max3A_324 [1] : vector<288x576xf32> to vector<288xf32>
    %broadcast_in_dim3A_326 = vector.shape_cast %reduce_max3A_325 : vector<288xf32> to vector<288x1xf32>
    %sub3A_327 = vector.broadcast %broadcast_in_dim3A_326 : vector<288x1xf32> to vector<288x576xf32>
    %sub3A_328 = arith.subf %mul3A_323, %sub3A_327 : vector<288x576xf32>
    %exp3A_329 = math.exp %sub3A_328 : vector<288x576xf32>
    %swap3A_330 = arith.constant 0 : index
    %swap3A_331 = arith.constant 9 : index
    %swap3A_332 = arith.constant 0 : index
    %swap3A_333 = arith.constant 0 : index
    %swap3A_334 = vector.load %arg6[%swap3A_330, %swap3A_331, %swap3A_332, %swap3A_333] : memref<1x12x288x576xf32, #tpu.memory_space<vmem>>, vector<1x1x288x576xf32>
    %swap3A_335 = vector.shape_cast %swap3A_334 : vector<1x1x288x576xf32> to vector<288x576xf32>
    %swap3A_336 = vector.shape_cast %exp3A_329 : vector<288x576xf32> to vector<1x1x288x576xf32>
    tpu.vector_store %arg6[%swap3A_330, %swap3A_331, %swap3A_332, %swap3A_333], %swap3A_336 {strides = array<i32>} : memref<1x12x288x576xf32, #tpu.memory_space<vmem>>, vector<1x1x288x576xf32>,
    %reduce_sum3A_337 = arith.constant dense<0.000000e+00> : vector<288xf32>
    %reduce_sum3A_338 = vector.multi_reduction <add>, %exp3A_329, %reduce_sum3A_337 [1] : vector<288x576xf32> to vector<288xf32>
    %broadcast_in_dim3A_339 = vector.shape_cast %reduce_sum3A_338 : vector<288xf32> to vector<288x1xf32>
    %div3A_340 = vector.broadcast %broadcast_in_dim3A_339 : vector<288x1xf32> to vector<288x576xf32>
    %div3A_341 = arith.divf %exp3A_329, %div3A_340 : vector<288x576xf32>
    %swap3A_342 = arith.constant 0 : index
    %swap3A_343 = arith.constant 9 : index
    %swap3A_344 = arith.constant 0 : index
    %swap3A_345 = arith.constant 0 : index
    %swap3A_346 = vector.load %arg7[%swap3A_342, %swap3A_343, %swap3A_344, %swap3A_345] : memref<1x12x288x576xf32, #tpu.memory_space<vmem>>, vector<1x1x288x576xf32>
    %swap3A_347 = vector.shape_cast %swap3A_346 : vector<1x1x288x576xf32> to vector<288x576xf32>
    %swap3A_348 = vector.shape_cast %div3A_341 : vector<288x576xf32> to vector<1x1x288x576xf32>
    tpu.vector_store %arg7[%swap3A_342, %swap3A_343, %swap3A_344, %swap3A_345], %swap3A_348 {strides = array<i32>} : memref<1x12x288x576xf32, #tpu.memory_space<vmem>>, vector<1x1x288x576xf32>,
    %dot_general3A_349 = arith.constant dense<0.000000e+00> : vector<288x64xf32>
    %dot_general3A_350 = tpu.matmul %div3A_341, %slice3A_318, %dot_general3A_349 {dimension_numbers = #tpu.dot_dimension_numbers<[1], [0], [0], [1], [0, 0, 1, 1], [], []>, transpose_lhs_hint = false} : vector<288x576xf32>, vector<576x64xf32>, vector<288x64xf32> -> vector<288x64xf32>
    %slice3A_351 = vector.extract_strided_slice %get3A_9 {offsets = [0, 640], sizes = [288, 64], strides = [1, 1]} : vector<288x2304xf32> to vector<288x64xf32>
    %slice3A_352 = vector.extract_strided_slice %get3A_3 {offsets = [0, 1408], sizes = [576, 64], strides = [1, 1]} : vector<576x2304xf32> to vector<576x64xf32>
    %slice3A_353 = vector.extract_strided_slice %get3A_3 {offsets = [0, 2176], sizes = [576, 64], strides = [1, 1]} : vector<576x2304xf32> to vector<576x64xf32>
    %dot_general3A_354 = arith.constant dense<0.000000e+00> : vector<288x576xf32>
    %dot_general3A_355 = tpu.matmul %slice3A_351, %slice3A_352, %dot_general3A_354 {dimension_numbers = #tpu.dot_dimension_numbers<[1], [1], [0], [0], [0, 0, 1, 0], [], []>, transpose_lhs_hint = false} : vector<288x64xf32>, vector<576x64xf32>, vector<288x576xf32> -> vector<288x576xf32>
    %mul3A_356 = arith.constant 1.250000e-01 : f32
    %mul3A_357 = vector.broadcast %mul3A_356 : f32 to vector<288x576xf32>
    %mul3A_358 = arith.mulf %dot_general3A_355, %mul3A_357 : vector<288x576xf32>
    %reduce_max3A_359 = arith.constant dense<0xFF800000> : vector<288xf32>
    %reduce_max3A_360 = vector.multi_reduction <maximumf>, %mul3A_358, %reduce_max3A_359 [1] : vector<288x576xf32> to vector<288xf32>
    %broadcast_in_dim3A_361 = vector.shape_cast %reduce_max3A_360 : vector<288xf32> to vector<288x1xf32>
    %sub3A_362 = vector.broadcast %broadcast_in_dim3A_361 : vector<288x1xf32> to vector<288x576xf32>
    %sub3A_363 = arith.subf %mul3A_358, %sub3A_362 : vector<288x576xf32>
    %exp3A_364 = math.exp %sub3A_363 : vector<288x576xf32>
    %swap3A_365 = arith.constant 0 : index
    %swap3A_366 = arith.constant 10 : index
    %swap3A_367 = arith.constant 0 : index
    %swap3A_368 = arith.constant 0 : index
    %swap3A_369 = vector.load %arg6[%swap3A_365, %swap3A_366, %swap3A_367, %swap3A_368] : memref<1x12x288x576xf32, #tpu.memory_space<vmem>>, vector<1x1x288x576xf32>
    %swap3A_370 = vector.shape_cast %swap3A_369 : vector<1x1x288x576xf32> to vector<288x576xf32>
    %swap3A_371 = vector.shape_cast %exp3A_364 : vector<288x576xf32> to vector<1x1x288x576xf32>
    tpu.vector_store %arg6[%swap3A_365, %swap3A_366, %swap3A_367, %swap3A_368], %swap3A_371 {strides = array<i32>} : memref<1x12x288x576xf32, #tpu.memory_space<vmem>>, vector<1x1x288x576xf32>,
    %reduce_sum3A_372 = arith.constant dense<0.000000e+00> : vector<288xf32>
    %reduce_sum3A_373 = vector.multi_reduction <add>, %exp3A_364, %reduce_sum3A_372 [1] : vector<288x576xf32> to vector<288xf32>
    %broadcast_in_dim3A_374 = vector.shape_cast %reduce_sum3A_373 : vector<288xf32> to vector<288x1xf32>
    %div3A_375 = vector.broadcast %broadcast_in_dim3A_374 : vector<288x1xf32> to vector<288x576xf32>
    %div3A_376 = arith.divf %exp3A_364, %div3A_375 : vector<288x576xf32>
    %swap3A_377 = arith.constant 0 : index
    %swap3A_378 = arith.constant 10 : index
    %swap3A_379 = arith.constant 0 : index
    %swap3A_380 = arith.constant 0 : index
    %swap3A_381 = vector.load %arg7[%swap3A_377, %swap3A_378, %swap3A_379, %swap3A_380] : memref<1x12x288x576xf32, #tpu.memory_space<vmem>>, vector<1x1x288x576xf32>
    %swap3A_382 = vector.shape_cast %swap3A_381 : vector<1x1x288x576xf32> to vector<288x576xf32>
    %swap3A_383 = vector.shape_cast %div3A_376 : vector<288x576xf32> to vector<1x1x288x576xf32>
    tpu.vector_store %arg7[%swap3A_377, %swap3A_378, %swap3A_379, %swap3A_380], %swap3A_383 {strides = array<i32>} : memref<1x12x288x576xf32, #tpu.memory_space<vmem>>, vector<1x1x288x576xf32>,
    %dot_general3A_384 = arith.constant dense<0.000000e+00> : vector<288x64xf32>
    %dot_general3A_385 = tpu.matmul %div3A_376, %slice3A_353, %dot_general3A_384 {dimension_numbers = #tpu.dot_dimension_numbers<[1], [0], [0], [1], [0, 0, 1, 1], [], []>, transpose_lhs_hint = false} : vector<288x576xf32>, vector<576x64xf32>, vector<288x64xf32> -> vector<288x64xf32>
    %slice3A_386 = vector.extract_strided_slice %get3A_9 {offsets = [0, 704], sizes = [288, 64], strides = [1, 1]} : vector<288x2304xf32> to vector<288x64xf32>
    %slice3A_387 = vector.extract_strided_slice %get3A_3 {offsets = [0, 1472], sizes = [576, 64], strides = [1, 1]} : vector<576x2304xf32> to vector<576x64xf32>
    %slice3A_388 = vector.extract_strided_slice %get3A_3 {offsets = [0, 2240], sizes = [576, 64], strides = [1, 1]} : vector<576x2304xf32> to vector<576x64xf32>
    %dot_general3A_389 = arith.constant dense<0.000000e+00> : vector<288x576xf32>
    %dot_general3A_390 = tpu.matmul %slice3A_386, %slice3A_387, %dot_general3A_389 {dimension_numbers = #tpu.dot_dimension_numbers<[1], [1], [0], [0], [0, 0, 1, 0], [], []>, transpose_lhs_hint = false} : vector<288x64xf32>, vector<576x64xf32>, vector<288x576xf32> -> vector<288x576xf32>
    %mul3A_391 = arith.constant 1.250000e-01 : f32
    %mul3A_392 = vector.broadcast %mul3A_391 : f32 to vector<288x576xf32>
    %mul3A_393 = arith.mulf %dot_general3A_390, %mul3A_392 : vector<288x576xf32>
    %reduce_max3A_394 = arith.constant dense<0xFF800000> : vector<288xf32>
    %reduce_max3A_395 = vector.multi_reduction <maximumf>, %mul3A_393, %reduce_max3A_394 [1] : vector<288x576xf32> to vector<288xf32>
    %broadcast_in_dim3A_396 = vector.shape_cast %reduce_max3A_395 : vector<288xf32> to vector<288x1xf32>
    %sub3A_397 = vector.broadcast %broadcast_in_dim3A_396 : vector<288x1xf32> to vector<288x576xf32>
    %sub3A_398 = arith.subf %mul3A_393, %sub3A_397 : vector<288x576xf32>
    %exp3A_399 = math.exp %sub3A_398 : vector<288x576xf32>
    %swap3A_400 = arith.constant 0 : index
    %swap3A_401 = arith.constant 11 : index
    %swap3A_402 = arith.constant 0 : index
    %swap3A_403 = arith.constant 0 : index
    %swap3A_404 = vector.load %arg6[%swap3A_400, %swap3A_401, %swap3A_402, %swap3A_403] : memref<1x12x288x576xf32, #tpu.memory_space<vmem>>, vector<1x1x288x576xf32>
    %swap3A_405 = vector.shape_cast %swap3A_404 : vector<1x1x288x576xf32> to vector<288x576xf32>
    %swap3A_406 = vector.shape_cast %exp3A_399 : vector<288x576xf32> to vector<1x1x288x576xf32>
    tpu.vector_store %arg6[%swap3A_400, %swap3A_401, %swap3A_402, %swap3A_403], %swap3A_406 {strides = array<i32>} : memref<1x12x288x576xf32, #tpu.memory_space<vmem>>, vector<1x1x288x576xf32>,
    %reduce_sum3A_407 = arith.constant dense<0.000000e+00> : vector<288xf32>
    %reduce_sum3A_408 = vector.multi_reduction <add>, %exp3A_399, %reduce_sum3A_407 [1] : vector<288x576xf32> to vector<288xf32>
    %broadcast_in_dim3A_409 = vector.shape_cast %reduce_sum3A_408 : vector<288xf32> to vector<288x1xf32>
    %div3A_410 = vector.broadcast %broadcast_in_dim3A_409 : vector<288x1xf32> to vector<288x576xf32>
    %div3A_411 = arith.divf %exp3A_399, %div3A_410 : vector<288x576xf32>
    %swap3A_412 = arith.constant 0 : index
    %swap3A_413 = arith.constant 11 : index
    %swap3A_414 = arith.constant 0 : index
    %swap3A_415 = arith.constant 0 : index
    %swap3A_416 = vector.load %arg7[%swap3A_412, %swap3A_413, %swap3A_414, %swap3A_415] : memref<1x12x288x576xf32, #tpu.memory_space<vmem>>, vector<1x1x288x576xf32>
    %swap3A_417 = vector.shape_cast %swap3A_416 : vector<1x1x288x576xf32> to vector<288x576xf32>
    %swap3A_418 = vector.shape_cast %div3A_411 : vector<288x576xf32> to vector<1x1x288x576xf32>
    tpu.vector_store %arg7[%swap3A_412, %swap3A_413, %swap3A_414, %swap3A_415], %swap3A_418 {strides = array<i32>} : memref<1x12x288x576xf32, #tpu.memory_space<vmem>>, vector<1x1x288x576xf32>,
    %dot_general3A_419 = arith.constant dense<0.000000e+00> : vector<288x64xf32>
    %dot_general3A_420 = tpu.matmul %div3A_411, %slice3A_388, %dot_general3A_419 {dimension_numbers = #tpu.dot_dimension_numbers<[1], [0], [0], [1], [0, 0, 1, 1], [], []>, transpose_lhs_hint = false} : vector<288x576xf32>, vector<576x64xf32>, vector<288x64xf32> -> vector<288x64xf32>
    %concatenate3A = tpu.concatenate %dot_general3A_35, %dot_general3A_70, %dot_general3A_105, %dot_general3A_140, %dot_general3A_175, %dot_general3A_210, %dot_general3A_245, %dot_general3A_280, %dot_general3A_315, %dot_general3A_350, %dot_general3A_385, %dot_general3A_420 in 1 : vector<288x64xf32>, vector<288x64xf32>, vector<288x64xf32>, vector<288x64xf32>, vector<288x64xf32>, vector<288x64xf32>, vector<288x64xf32>, vector<288x64xf32>, vector<288x64xf32>, vector<288x64xf32>, vector<288x64xf32>, vector<288x64xf32> -> vector<288x768xf32>
    %get3A_421 = arith.constant 0 : index
    %get3A_422 = arith.constant 0 : index
    %get3A_423 = vector.load %arg4[%get3A_421, %get3A_422] : memref<768x768xf32, #tpu.memory_space<vmem>>, vector<768x768xf32>
    %dot_general3A_424 = arith.constant dense<0.000000e+00> : vector<288x768xf32>
    %dot_general3A_425 = tpu.matmul %concatenate3A, %get3A_423, %dot_general3A_424 {dimension_numbers = #tpu.dot_dimension_numbers<[1], [0], [0], [1], [0, 0, 1, 1], [], []>, transpose_lhs_hint = false} : vector<288x768xf32>, vector<768x768xf32>, vector<288x768xf32> -> vector<288x768xf32>
    %get3A_426 = arith.constant 0 : index
    %get3A_427 = arith.constant 0 : index
    %get3A_428 = arith.constant 0 : index
    %get3A_429 = vector.load %arg2[%get3A_426, %get3A_427, %get3A_428] : memref<1x288x768xf32, #tpu.memory_space<vmem>>, vector<1x288x768xf32>
    %get3A_430 = vector.shape_cast %get3A_429 : vector<1x288x768xf32> to vector<288x768xf32>
    %get3A_431 = arith.constant 0 : index
    %get3A_432 = arith.constant 0 : index
    %get3A_433 = vector.load %arg5[%get3A_431, %get3A_432] : memref<1x768xf32, #tpu.memory_space<vmem>>, vector<1x768xf32>
    %get3A_434 = vector.shape_cast %get3A_433 : vector<1x768xf32> to vector<768xf32>
    %broadcast_in_dim3A_435 = vector.shape_cast %get3A_434 : vector<768xf32> to vector<1x768xf32>
    %add3A = vector.broadcast %broadcast_in_dim3A_435 : vector<1x768xf32> to vector<288x768xf32>
    %add3A_436 = arith.addf %get3A_430, %add3A : vector<288x768xf32>
    %add3A_437 = arith.addf %add3A_436, %dot_general3A_425 : vector<288x768xf32>
    %swap3A_438 = arith.constant 0 : index
    %swap3A_439 = arith.constant 0 : index
    %swap3A_440 = arith.constant 0 : index
    %swap3A_441 = vector.load %arg8[%swap3A_438, %swap3A_439, %swap3A_440] : memref<1x288x768xf32, #tpu.memory_space<vmem>>, vector<1x288x768xf32>
    %swap3A_442 = vector.shape_cast %swap3A_441 : vector<1x288x768xf32> to vector<288x768xf32>
    %swap3A_443 = vector.shape_cast %add3A_437 : vector<288x768xf32> to vector<1x288x768xf32>
    tpu.vector_store %arg8[%swap3A_438, %swap3A_439, %swap3A_440], %swap3A_443 {strides = array<i32>} : memref<1x288x768xf32, #tpu.memory_space<vmem>>, vector<1x288x768xf32>,
    return
  }
  func.func @transform_0(%arg0: i32, %arg1: i32) -> (i32, i32, i32) {
    %c0_i32 = arith.constant 0 : i32
    %c0_i32_0 = arith.constant 0 : i32
    return %arg0, %arg1, %c0_i32 : i32, i32, i32
  }
  func.func @transform_1(%arg0: i32, %arg1: i32) -> (i32, i32, i32) {
    %c0_i32 = arith.constant 0 : i32
    %c0_i32_0 = arith.constant 0 : i32
    %c0_i32_1 = arith.constant 0 : i32
    return %arg0, %c0_i32, %c0_i32_0 : i32, i32, i32
  }
  func.func @transform_2(%arg0: i32, %arg1: i32) -> (i32, i32) {
    %c0_i32 = arith.constant 0 : i32
    %c0_i32_0 = arith.constant 0 : i32
    %c0_i32_1 = arith.constant 0 : i32
    return %c0_i32, %c0_i32_0 : i32, i32
  }
  func.func @transform_3(%arg0: i32, %arg1: i32) -> (i32, i32) {
    %c0_i32 = arith.constant 0 : i32
    %c0_i32_0 = arith.constant 0 : i32
    %c0_i32_1 = arith.constant 0 : i32
    return %c0_i32, %c0_i32_0 : i32, i32
  }
  func.func @transform_4(%arg0: i32, %arg1: i32) -> (i32, i32, i32, i32) {
    %c0_i32 = arith.constant 0 : i32
    %c0_i32_0 = arith.constant 0 : i32
    %c0_i32_1 = arith.constant 0 : i32
    return %arg0, %c0_i32, %arg1, %c0_i32_0 : i32, i32, i32, i32
  }
  func.func @transform_5(%arg0: i32, %arg1: i32) -> (i32, i32, i32, i32) {
    %c0_i32 = arith.constant 0 : i32
    %c0_i32_0 = arith.constant 0 : i32
    %c0_i32_1 = arith.constant 0 : i32
    return %arg0, %c0_i32, %arg1, %c0_i32_0 : i32, i32, i32, i32
  }
  func.func @transform_6(%arg0: i32, %arg1: i32) -> (i32, i32, i32) {
    %c0_i32 = arith.constant 0 : i32
    %c0_i32_0 = arith.constant 0 : i32
    return %arg0, %arg1, %c0_i32 : i32, i32, i32
  }
}

module attributes {stable_mosaic.version = 14 : i64} {
  func.func @_gather_mlp_body(%arg0: i32, %arg1: memref<1x576x768xf32, #tpu.memory_space<vmem>>, %arg2: memref<1x1x512xi32, #tpu.memory_space<vmem>>, %arg3: memref<1x768xf32, #tpu.memory_space<vmem>>, %arg4: memref<1x768xf32, #tpu.memory_space<vmem>>, %arg5: memref<768x3072xf32, #tpu.memory_space<vmem>>, %arg6: memref<1x3072xf32, #tpu.memory_space<vmem>>, %arg7: memref<3072x768xf32, #tpu.memory_space<vmem>>, %arg8: memref<1x768xf32, #tpu.memory_space<vmem>>, %arg9: memref<1x424x768xf32, #tpu.memory_space<vmem>>) attributes {dimension_semantics = [#tpu.dimension_semantics<arbitrary>], iteration_bounds = array<i64: 32>, scalar_prefetch = 0 : i64, scratch_operands = 0 : i64, tpu.core_type = #tpu.core_type<tc>, window_params = [{transform_indices = @transform_0, window_bounds = array<i64: 1, 576, 768>}, {transform_indices = @transform_1, window_bounds = array<i64: 1, 1, 512>}, {pipeline_mode = #tpu.pipeline_mode<synchronous>, transform_indices = @transform_2, window_bounds = array<i64: 1, 768>}, {pipeline_mode = #tpu.pipeline_mode<synchronous>, transform_indices = @transform_3, window_bounds = array<i64: 1, 768>}, {pipeline_mode = #tpu.pipeline_mode<synchronous>, transform_indices = @transform_4, window_bounds = array<i64: 768, 3072>}, {pipeline_mode = #tpu.pipeline_mode<synchronous>, transform_indices = @transform_5, window_bounds = array<i64: 1, 3072>}, {pipeline_mode = #tpu.pipeline_mode<synchronous>, transform_indices = @transform_6, window_bounds = array<i64: 3072, 768>}, {pipeline_mode = #tpu.pipeline_mode<synchronous>, transform_indices = @transform_7, window_bounds = array<i64: 1, 768>}, {transform_indices = @transform_8, window_bounds = array<i64: 1, 424, 768>}]} {
    %get3A = arith.constant 0 : index
    %get3A_0 = arith.constant 0 : index
    %get3A_1 = arith.constant 0 : index
    %get3A_2 = vector.load %arg2[%get3A, %get3A_0, %get3A_1] : memref<1x1x512xi32, #tpu.memory_space<vmem>>, vector<1x1x424xi32>
    %get3A_3 = vector.shape_cast %get3A_2 : vector<1x1x424xi32> to vector<424xi32>
    %broadcast_in_dim3A = vector.shape_cast %get3A_3 : vector<424xi32> to vector<424x1xi32>
    %iota3A = tpu.iota {dimensions = array<i32: 1>} : vector<424x576xi32>
    %eq3A = vector.broadcast %broadcast_in_dim3A : vector<424x1xi32> to vector<424x576xi32>
    %eq3A_4 = arith.cmpi eq, %eq3A, %iota3A : vector<424x576xi32>
    %convert_element_type3A = arith.extui %eq3A_4 : vector<424x576xi1> to vector<424x576xi32>
    %convert_element_type3A_5 = arith.sitofp %convert_element_type3A : vector<424x576xi32> to vector<424x576xf32>
    %get3A_6 = arith.constant 0 : index
    %get3A_7 = arith.constant 0 : index
    %get3A_8 = arith.constant 0 : index
    %get3A_9 = vector.load %arg1[%get3A_6, %get3A_7, %get3A_8] : memref<1x576x768xf32, #tpu.memory_space<vmem>>, vector<1x576x768xf32>
    %get3A_10 = vector.shape_cast %get3A_9 : vector<1x576x768xf32> to vector<576x768xf32>
    %dot_general3A = arith.constant dense<0.000000e+00> : vector<424x768xf32>
    %dot_general3A_11 = tpu.matmul %convert_element_type3A_5, %get3A_10, %dot_general3A {dimension_numbers = #tpu.dot_dimension_numbers<[1], [0], [0], [1], [0, 0, 1, 1], [], []>, transpose_lhs_hint = false} : vector<424x576xf32>, vector<576x768xf32>, vector<424x768xf32> -> vector<424x768xf32>
    %reduce_sum3A = arith.constant dense<0.000000e+00> : vector<424xf32>
    %reduce_sum3A_12 = vector.multi_reduction <add>, %dot_general3A_11, %reduce_sum3A [1] : vector<424x768xf32> to vector<424xf32>
    %broadcast_in_dim3A_13 = vector.shape_cast %reduce_sum3A_12 : vector<424xf32> to vector<424x1xf32>
    %div3A = arith.constant 7.680000e+02 : f32
    %div3A_14 = vector.broadcast %div3A : f32 to vector<424x1xf32>
    %div3A_15 = arith.divf %broadcast_in_dim3A_13, %div3A_14 : vector<424x1xf32>
    %sub3A = vector.broadcast %div3A_15 : vector<424x1xf32> to vector<424x768xf32>
    %sub3A_16 = arith.subf %dot_general3A_11, %sub3A : vector<424x768xf32>
    %integer_pow3A = arith.mulf %sub3A_16, %sub3A_16 : vector<424x768xf32>
    %reduce_sum3A_17 = arith.constant dense<0.000000e+00> : vector<424xf32>
    %reduce_sum3A_18 = vector.multi_reduction <add>, %integer_pow3A, %reduce_sum3A_17 [1] : vector<424x768xf32> to vector<424xf32>
    %broadcast_in_dim3A_19 = vector.shape_cast %reduce_sum3A_18 : vector<424xf32> to vector<424x1xf32>
    %div3A_20 = arith.constant 7.680000e+02 : f32
    %div3A_21 = vector.broadcast %div3A_20 : f32 to vector<424x1xf32>
    %div3A_22 = arith.divf %broadcast_in_dim3A_19, %div3A_21 : vector<424x1xf32>
    %sub3A_23 = vector.broadcast %div3A_15 : vector<424x1xf32> to vector<424x768xf32>
    %sub3A_24 = arith.subf %dot_general3A_11, %sub3A_23 : vector<424x768xf32>
    %add3A = arith.constant 9.99999974E-6 : f32
    %add3A_25 = vector.broadcast %add3A : f32 to vector<424x1xf32>
    %add3A_26 = arith.addf %div3A_22, %add3A_25 : vector<424x1xf32>
    %sqrt3A = math.sqrt %add3A_26 : vector<424x1xf32>
    %div3A_27 = vector.broadcast %sqrt3A : vector<424x1xf32> to vector<424x768xf32>
    %div3A_28 = arith.divf %sub3A_24, %div3A_27 : vector<424x768xf32>
    %get3A_29 = arith.constant 0 : index
    %get3A_30 = arith.constant 0 : index
    %get3A_31 = vector.load %arg3[%get3A_29, %get3A_30] : memref<1x768xf32, #tpu.memory_space<vmem>>, vector<1x768xf32>
    %get3A_32 = vector.shape_cast %get3A_31 : vector<1x768xf32> to vector<768xf32>
    %broadcast_in_dim3A_33 = vector.shape_cast %get3A_32 : vector<768xf32> to vector<1x768xf32>
    %mul3A = vector.broadcast %broadcast_in_dim3A_33 : vector<1x768xf32> to vector<424x768xf32>
    %mul3A_34 = arith.mulf %div3A_28, %mul3A : vector<424x768xf32>
    %get3A_35 = arith.constant 0 : index
    %get3A_36 = arith.constant 0 : index
    %get3A_37 = vector.load %arg4[%get3A_35, %get3A_36] : memref<1x768xf32, #tpu.memory_space<vmem>>, vector<1x768xf32>
    %get3A_38 = vector.shape_cast %get3A_37 : vector<1x768xf32> to vector<768xf32>
    %broadcast_in_dim3A_39 = vector.shape_cast %get3A_38 : vector<768xf32> to vector<1x768xf32>
    %add3A_40 = vector.broadcast %broadcast_in_dim3A_39 : vector<1x768xf32> to vector<424x768xf32>
    %add3A_41 = arith.addf %mul3A_34, %add3A_40 : vector<424x768xf32>
    %get3A_42 = arith.constant 0 : index
    %get3A_43 = arith.constant 0 : index
    %get3A_44 = vector.load %arg5[%get3A_42, %get3A_43] : memref<768x3072xf32, #tpu.memory_space<vmem>>, vector<768x3072xf32>
    %dot_general3A_45 = arith.constant dense<0.000000e+00> : vector<424x3072xf32>
    %dot_general3A_46 = tpu.matmul %add3A_41, %get3A_44, %dot_general3A_45 {dimension_numbers = #tpu.dot_dimension_numbers<[1], [0], [0], [1], [0, 0, 1, 1], [], []>, transpose_lhs_hint = false} : vector<424x768xf32>, vector<768x3072xf32>, vector<424x3072xf32> -> vector<424x3072xf32>
    %get3A_47 = arith.constant 0 : index
    %get3A_48 = arith.constant 0 : index
    %get3A_49 = vector.load %arg6[%get3A_47, %get3A_48] : memref<1x3072xf32, #tpu.memory_space<vmem>>, vector<1x3072xf32>
    %get3A_50 = vector.shape_cast %get3A_49 : vector<1x3072xf32> to vector<3072xf32>
    %broadcast_in_dim3A_51 = vector.shape_cast %get3A_50 : vector<3072xf32> to vector<1x3072xf32>
    %add3A_52 = vector.broadcast %broadcast_in_dim3A_51 : vector<1x3072xf32> to vector<424x3072xf32>
    %add3A_53 = arith.addf %dot_general3A_46, %add3A_52 : vector<424x3072xf32>
    %mul3A_54 = arith.constant 5.000000e-01 : f32
    %mul3A_55 = vector.broadcast %mul3A_54 : f32 to vector<424x3072xf32>
    %mul3A_56 = arith.mulf %mul3A_55, %add3A_53 : vector<424x3072xf32>
    %mul3A_57 = arith.constant 0.707106769 : f32
    %mul3A_58 = vector.broadcast %mul3A_57 : f32 to vector<424x3072xf32>
    %mul3A_59 = arith.mulf %add3A_53, %mul3A_58 : vector<424x3072xf32>
    %erf3A = math.erf %mul3A_59 : vector<424x3072xf32>
    %add3A_60 = arith.constant 1.000000e+00 : f32
    %add3A_61 = vector.broadcast %add3A_60 : f32 to vector<424x3072xf32>
    %add3A_62 = arith.addf %add3A_61, %erf3A : vector<424x3072xf32>
    %mul3A_63 = arith.mulf %mul3A_56, %add3A_62 : vector<424x3072xf32>
    %get3A_64 = arith.constant 0 : index
    %get3A_65 = arith.constant 0 : index
    %get3A_66 = vector.load %arg7[%get3A_64, %get3A_65] : memref<3072x768xf32, #tpu.memory_space<vmem>>, vector<3072x768xf32>
    %dot_general3A_67 = arith.constant dense<0.000000e+00> : vector<424x768xf32>
    %dot_general3A_68 = tpu.matmul %mul3A_63, %get3A_66, %dot_general3A_67 {dimension_numbers = #tpu.dot_dimension_numbers<[1], [0], [0], [1], [0, 0, 1, 1], [], []>, transpose_lhs_hint = false} : vector<424x3072xf32>, vector<3072x768xf32>, vector<424x768xf32> -> vector<424x768xf32>
    %get3A_69 = arith.constant 0 : index
    %get3A_70 = arith.constant 0 : index
    %get3A_71 = vector.load %arg8[%get3A_69, %get3A_70] : memref<1x768xf32, #tpu.memory_space<vmem>>, vector<1x768xf32>
    %get3A_72 = vector.shape_cast %get3A_71 : vector<1x768xf32> to vector<768xf32>
    %broadcast_in_dim3A_73 = vector.shape_cast %get3A_72 : vector<768xf32> to vector<1x768xf32>
    %add3A_74 = vector.broadcast %broadcast_in_dim3A_73 : vector<1x768xf32> to vector<424x768xf32>
    %add3A_75 = arith.addf %dot_general3A_68, %add3A_74 : vector<424x768xf32>
    %add3A_76 = arith.addf %dot_general3A_11, %add3A_75 : vector<424x768xf32>
    %swap3A = arith.constant 0 : index
    %swap3A_77 = arith.constant 0 : index
    %swap3A_78 = arith.constant 0 : index
    %swap3A_79 = vector.load %arg9[%swap3A, %swap3A_77, %swap3A_78] : memref<1x424x768xf32, #tpu.memory_space<vmem>>, vector<1x424x768xf32>
    %swap3A_80 = vector.shape_cast %swap3A_79 : vector<1x424x768xf32> to vector<424x768xf32>
    %swap3A_81 = vector.shape_cast %add3A_76 : vector<424x768xf32> to vector<1x424x768xf32>
    tpu.vector_store %arg9[%swap3A, %swap3A_77, %swap3A_78], %swap3A_81 {strides = array<i32>} : memref<1x424x768xf32, #tpu.memory_space<vmem>>, vector<1x424x768xf32>,
    return
  }
  func.func @transform_0(%arg0: i32) -> (i32, i32, i32) {
    %c0_i32 = arith.constant 0 : i32
    %c0_i32_0 = arith.constant 0 : i32
    %c0_i32_1 = arith.constant 0 : i32
    return %arg0, %c0_i32, %c0_i32_0 : i32, i32, i32
  }
  func.func @transform_1(%arg0: i32) -> (i32, i32, i32) {
    %c0_i32 = arith.constant 0 : i32
    %c0_i32_0 = arith.constant 0 : i32
    %c0_i32_1 = arith.constant 0 : i32
    return %arg0, %c0_i32, %c0_i32_0 : i32, i32, i32
  }
  func.func @transform_2(%arg0: i32) -> (i32, i32) {
    %c0_i32 = arith.constant 0 : i32
    %c0_i32_0 = arith.constant 0 : i32
    %c0_i32_1 = arith.constant 0 : i32
    return %c0_i32, %c0_i32_0 : i32, i32
  }
  func.func @transform_3(%arg0: i32) -> (i32, i32) {
    %c0_i32 = arith.constant 0 : i32
    %c0_i32_0 = arith.constant 0 : i32
    %c0_i32_1 = arith.constant 0 : i32
    return %c0_i32, %c0_i32_0 : i32, i32
  }
  func.func @transform_4(%arg0: i32) -> (i32, i32) {
    %c0_i32 = arith.constant 0 : i32
    %c0_i32_0 = arith.constant 0 : i32
    %c0_i32_1 = arith.constant 0 : i32
    return %c0_i32, %c0_i32_0 : i32, i32
  }
  func.func @transform_5(%arg0: i32) -> (i32, i32) {
    %c0_i32 = arith.constant 0 : i32
    %c0_i32_0 = arith.constant 0 : i32
    %c0_i32_1 = arith.constant 0 : i32
    return %c0_i32, %c0_i32_0 : i32, i32
  }
  func.func @transform_6(%arg0: i32) -> (i32, i32) {
    %c0_i32 = arith.constant 0 : i32
    %c0_i32_0 = arith.constant 0 : i32
    %c0_i32_1 = arith.constant 0 : i32
    return %c0_i32, %c0_i32_0 : i32, i32
  }
  func.func @transform_7(%arg0: i32) -> (i32, i32) {
    %c0_i32 = arith.constant 0 : i32
    %c0_i32_0 = arith.constant 0 : i32
    %c0_i32_1 = arith.constant 0 : i32
    return %c0_i32, %c0_i32_0 : i32, i32
  }
  func.func @transform_8(%arg0: i32) -> (i32, i32, i32) {
    %c0_i32 = arith.constant 0 : i32
    %c0_i32_0 = arith.constant 0 : i32
    %c0_i32_1 = arith.constant 0 : i32
    return %arg0, %c0_i32, %c0_i32_0 : i32, i32, i32
  }
}

</mosaic_0001>

<sc_bundles>
// kernel: gather_offload_async_start.1
scs
__scs_entry_jumppad:
0x0: {  	(pc) =	sbr.rel $0x88, $3  }
0x1: {  	(tag) =	ssettag $0x0;
	lr =	simm.s32 $0x1  }
0x2: {  	[smem:$0x3F91] =	sst lr;
	_ =	strace $0xD0000000  }
0x3: {  	_ = 	snop  }
0x4: {  	_ = 	snop  }
0x5: {  	_ = 	snop  }
0x6: {  	_ = 	snop  }
0x7: {  	_ = 	snop  }
__scs_overlays_trampoline_lowered:
0x8: {  	[smem:$0x3FA0] =	sst s0  }
0x9: {  	[smem:$0x3FA1] =	sst s1  }
0xa: {  	[smem:$0x3FA2] =	sst s2  }
0xb: {  	[smem:$0x3FA3] =	sst s3  }
0xc: {  	[smem:$0x3FA4] =	sst s4  }
0xd: {  	[smem:$0x3FA5] =	sst s5  }
0xe: {  	[smem:$0x3FA6] =	sst s6  }
0xf: {  	[smem:$0x3FA7] =	sst s7  }
0x10: {  	[smem:$0x3FA8] =	sst s8  }
0x11: {  	[smem:$0x3FA9] =	sst s9;
	s0 =	simm.s32 @!p0 $0x0  }
0x12: {  	s1 =	sld [smem:$0x3F8F];
	s0 =	simm.s32 @p0 $0x1  }
0x13: {  	[smem:$0x3FAA] =	sst s0;
	s0 =	simm.s32 @!p1 $0x0  }
0x14: {  	s2 =	sld [smem:$0x3F8E];
	s0 =	simm.s32 @p1 $0x1  }
0x15: {  	[smem:$0x3FAB] =	sst s0;
	s0 =	simm.s32 @!p2 $0x0  }
0x16: {  	s3 =	sld [smem:$0x3FDB];
	s0 =	simm.s32 @p2 $0x1  }
0x17: {  	s4 =	simm.s32 $0x1BF5;
	[smem:$0x3FAD] =	sst s0  }
0x18: {  	s0 =	sld [smem:$0x3F90];
	_ =	swait.ge [sflag:s4], $0x0  }
0x19: {  	s7 =	sld [smem:$0x3F91]  }
0x1a: {  	s8 =	sadd.s32 $0xFFFFE003, lr  }
0x1b: {  	s9 =	sadd.s32 $0xFFFFFEF7, lr;
	s5 =	simm.s32 $0xFFFFFFFF;
	p2 =	slt.u32 s8, $0xFFFFF086  }
0x1c: {  	p1 =	slt.u32 s9, $0xF7A;
	s5 =	simm.s32 @!p2 $0x0  }
0x1d: {  	s5 =	simm.s32 @p1 $0x1;
	p0 =	seq.s32 s7, s2  }
0x1e: {  	s7 =	smul.u32 @!p0 $0xF7A, s2;
	p2 =	seq.s32 @!p0 s5, $0x0  }
0x1f: {  	s9 =	smul.u32 $0xF7A, s1;
	s8 =	simm.s32 @!p0 $0x1BF5;
	p2 =	por !p2, p0  }
0x20: {  	[sflag:s8] =	ssyncset.s32 @!p0 $0xFFFFF086;
	s6 =	sadd.s32 @!p0 s3, s7;
	s7 =	simm.s32 @!p0 $0x108  }
0x21: {  	s3 =	sadd.s32 s3, s9;
	s6 =	sadd.s32 @!p0 $0x88, s6;
	s7 =	simm.s32 @p2 $0x1082  }
0x22: {  	[simem:s7], [sflag:s8] =	dma.local @!p0 [hbm:s6], $0xF7A  }
0x23: {  	s9 =	sor.u32 $0xD0000000, s2;
	s6 =	simm.s32 $0x108;
	_ =	swait.ge @!p0 [sflag:s8], $0x0  }
0x24: {  	s3 =	sadd.s32 $0x88, s3;
	s6 =	simm.s32 @!p1 $0x1082;
	[sflag:s4] =	ssyncset.s32 $0xFFFFF086  }
0x25: {  	[simem:s6], [sflag:s4] =	dma.local [hbm:s3], $0xF7A  }
0x26: {  	[smem:$0x3F91] =	sst s1;
	(tag) =	ssettag s2;
	_ =	strace s9  }
0x27: {  	s1 =	sld [smem:$0x3FA1]  }
0x28: {  	s2 =	sld [smem:$0x3FA2]  }
0x29: {  	s4 =	sld [smem:$0x3FA4]  }
0x2a: {  	p0 =	seq.s32 s5, $0x0;
	s5 =	sld [smem:$0x3FA5]  }
0x2b: {  	s6 =	sld [smem:$0x3FA6]  }
0x2c: {  	s7 =	sld [smem:$0x3FA7]  }
0x2d: {  	s3 =	simm.s32 $0x108;
	s8 =	sld [smem:$0x3FA8]  }
0x2e: {  	s3 =	simm.s32 @!p0 $0x1082;
	s9 =	sld [smem:$0x3FA9]  }
0x2f: {  	lr =	sadd.s32 s0, s3;
	s0 =	sld [smem:$0x3FA0]  }
0x30: {  	s3 =	sld [smem:$0x3FA3]  }
0x31: {  	[smem:$0x3FAC] =	sst s10  }
0x32: {  	s10 =	sld [smem:$0x3FAA];
	_ =	sdelay $0x3  }
0x33: {  	p0 =	seq.s32 s10, $0x1;
	s10 =	sld [smem:$0x3FAC];
	_ =	sdelay $0x3  }
0x34: {  	[smem:$0x3FAC] =	sst s10  }
0x35: {  	s10 =	sld [smem:$0x3FAB];
	_ =	sdelay $0x3  }
0x36: {  	p1 =	seq.s32 s10, $0x1;
	s10 =	sld [smem:$0x3FAC];
	_ =	sdelay $0x3  }
0x37: {  	[smem:$0x3FAC] =	sst s10  }
0x38: {  	s10 =	sld [smem:$0x3FAD]  }
0x39: {  	_ = 	snop;
	(pc) =	sbr.ind lr, $3  }
0x3a: {  	_ = 	snop  }
0x3b: {  	_ = 	snop  }
0x3c: {  	p2 =	seq.s32 s10, $0x1;
	s10 =	sld [smem:$0x3FAC]  }
0x3d: {  	_ =	shalt  }
0x3e: {  	_ =	shalt  }
0x3f: {  	_ =	shalt  }
0x40: {  	_ =	shalt  }
0x41: {  	_ =	shalt  }
0x42: {  	_ =	shalt  }
0x43: {  	_ =	shalt  }
0x44: {  	_ =	shalt  }
0x45: {  	_ =	shalt  }
0x46: {  	_ =	shalt  }
0x47: {  	_ =	shalt  }
0x48: {  	_ =	shalt  }
0x49: {  	_ =	shalt  }
0x4a: {  	_ =	shalt  }
0x4b: {  	_ =	shalt  }
0x4c: {  	_ =	shalt  }
0x4d: {  	_ =	shalt  }
0x4e: {  	_ =	shalt  }
0x4f: {  	_ =	shalt  }
0x50: {  	_ =	shalt  }
0x51: {  	_ =	shalt  }
0x52: {  	_ =	shalt  }
0x53: {  	_ =	shalt  }
0x54: {  	_ =	shalt  }
0x55: {  	_ =	shalt  }
0x56: {  	_ =	shalt  }
0x57: {  	_ =	shalt  }
0x58: {  	_ =	shalt  }
0x59: {  	_ =	shalt  }
0x5a: {  	_ =	shalt  }
0x5b: {  	_ =	shalt  }
0x5c: {  	_ =	shalt  }
0x5d: {  	_ =	shalt  }
0x5e: {  	_ =	shalt  }
0x5f: {  	_ =	shalt  }
0x60: {  	_ =	shalt  }
0x61: {  	_ =	shalt  }
0x62: {  	_ =	shalt  }
0x63: {  	_ =	shalt  }
0x64: {  	_ =	shalt  }
0x65: {  	_ =	shalt  }
0x66: {  	_ =	shalt  }
0x67: {  	_ =	shalt  }
0x68: {  	_ =	shalt  }
0x69: {  	_ =	shalt  }
0x6a: {  	_ =	shalt  }
0x6b: {  	_ =	shalt  }
0x6c: {  	_ =	shalt  }
0x6d: {  	_ =	shalt  }
0x6e: {  	_ =	shalt  }
0x6f: {  	_ =	shalt  }
0x70: {  	_ =	shalt  }
0x71: {  	_ =	shalt  }
0x72: {  	_ =	shalt  }
0x73: {  	_ =	shalt  }
0x74: {  	_ =	shalt  }
0x75: {  	_ =	shalt  }
0x76: {  	_ =	shalt  }
0x77: {  	_ =	shalt  }
0x78: {  	_ =	shalt  }
0x79: {  	_ =	shalt  }
0x7a: {  	_ =	shalt  }
0x7b: {  	_ =	shalt  }
0x7c: {  	_ =	shalt  }
0x7d: {  	_ =	shalt  }
0x7e: {  	_ =	shalt  }
0x7f: {  	_ =	shalt  }
0x80: {  	_ =	shalt  }
0x81: {  	_ =	shalt  }
0x82: {  	_ =	shalt  }
0x83: {  	_ =	shalt  }
0x84: {  	_ =	shalt  }
0x85: {  	_ =	shalt  }
0x86: {  	_ =	shalt  }
0x87: {  	_ =	shalt  }
.Lfunc_end0:
.L_simem_size_0:
called_computation.1_lowered:
.L_overlay_start_0:
0x88: {  	s2 =	sld [smem:$0x3FD9]  }
0x89: {  	s3 =	sld [smem:$0x3FFE];
	_ =	sdelay $0x1  }
0x8a: {  	s1 =	srdreg.scid  }
0x8b: {  	s0 =	sand.u32 $0x1, s1  }
0x8c: {  	s16 =	sshll.u32 s0, $0xA;
	s2 =	sadd.s32 s3, s2  }
0x8d: {  	s2 =	sadd.s32 s2, s16  }
0x8e: {  	[smem:$0x3FB8] =	sst s2  }
0x8f: {  	_ = 	snop  }
0x90: {  	s17 =	sld [smem:$0x3FD0];
	_ =	sdelay $0x2  }
0x91: {  	s5 =	simm.s32 $0xB;
	s4 =	simm.s32 $0x10;
	s2 =	sld [smem:$0x3FC6]  }
0x92: {  	[smem:s4], [sflag:s5] =	dma.local [hbm:s17], $0x1  }
0x93: {  	_ =	swait.eq [sflag:s5], $0x1  }
0x94: {  	[sflag:s5] =	ssyncset.done $0x0  }
0x95: {  	s18 =	sld [smem:$0x10];
	[sflag:s5] =	ssyncadd.s32 $0xFFFFFFFF  }
0x96: {  	s19 =	sld [smem:$0x12];
	(tm) =	ssettm $0x1  }
0x97: {  	s20 =	sld [smem:$0x3FFB];
	_ =	sdelay $0x3  }
0x98: {  	_ =	strace s20  }
0x99: {  	s3 =	sld [smem:$0x3FFC];
	_ =	sdelay $0x3  }
0x9a: {  	_ =	strace s3  }
0x9b: {  	s3 =	sld [smem:$0x3FFD];
	_ =	sdelay $0x3  }
0x9c: {  	_ =	strace s3  }
0x9d: {  	_ =	strace $0x8FFFFFFF  }
0x9e: {  	s21 =	sld [smem:$0x3FDB];
	_ =	sdelay $0x1  }
0x9f: {  	s6 =	simm.s32 $_scs_section_size  }
0xa0: {  	s7 =	simm.s32 $_size__tile_overlayer_lowered;
	s8 =	simm.s32 $_tile_overlayer_lowered  }
0xa1: {  	s9 =	simm.s32 $0x1BFF;
	s22 =	sshll.u32 s8, $0x1;
	s6 =	sadd.s32 s6, s21  }
0xa2: {  	s23 =	simm.s32 $0x0;
	s7 =	sshll.u32 s7, $0x1;
	s8 =	sadd.s32 s22, s6  }
0xa3: {  	[timem:s23], [sflag:s9] =	dma.local [hbm:s8], s7  }
0xa4: {  	_ =	swait.ge [sflag:s9], s7  }
0xa5: {  	s7 =	ssub.s32 $0x0, s7;
	[sflag:s9] =	ssyncset.done $0x0  }
0xa6: {  	[sflag:s9] =	ssyncadd.s32 s7;
	_ =	sdelay $0x1  }
0xa7: {  	s24 =	simm.s32 $0x1B8B  }
0xa8: {  	_ =	swait.ge [sflag:s24], $0x1  }
0xa9: {  	[sflag:s24] =	ssyncset.done $0x0  }
0xaa: {  	[sflag:s24] =	ssyncadd.s32 $0xFFFFFFFF  }
0xab: {  	s7 =	sld [smem:$0x0]  }
0xac: {  	s8 =	sand.u32 $0xFFFFFFFE, s1  }
0xad: {  	p0 =	sne.s32 s1, s8  }
0xae: {  	s8 =	sshll.u32 @p0 s8, $0xE  }
0xaf: {  	s8 =	sadd.s32 @p0 $0x11B8D, s8;
	s9 =	sshll.u32 @p0 s7, $0x11  }
0xb0: {  	s8 =	sor.u32 @p0 s9, s8  }
0xb1: {  	[sflag:s8] =	ssyncadd.remote.s32 @p0 $0x1;
	_ =	sdelay $0x1  }
0xb2: {  	s8 =	simm.s32 @p0 $0x1B8D  }
0xb3: {  	_ =	swait.eq @p0 [sflag:s8], $0x1  }
0xb4: {  	[sflag:s8] =	ssyncadd.s32 @p0 $0xFFFFFFFF  }
0xb5: {  	s9 =	sshll.u32 @!p0 s1, $0xE  }
0xb6: {  	s9 =	sor.u32 @!p0 $0x4000, s9;
	s8 =	simm.s32 @!p0 $0x1B8D  }
0xb7: {  	s7 =	sshll.u32 @!p0 s7, $0x11;
	s9 =	sadd.s32 @!p0 $0x11B8D, s9;
	_ =	swait.eq @!p0 [sflag:s8], $0x1  }
0xb8: {  	s7 =	sor.u32 @!p0 s7, s9;
	[sflag:s8] =	ssyncadd.s32 @!p0 $0xFFFFFFFF  }
0xb9: {  	s25 =	simm.s32 $0x1B8E;
	[sflag:s7] =	ssyncadd.remote.s32 @!p0 $0x1  }
0xba: {  	s26 =	simm.s32 $execute0_lowered;
	[smem:$0x3FD2] =	sst s25  }
0xbb: {  	s7 =	sshll.u32 s26, $0x1;
	_ =	strace $0x80000049;
	[dreg:$0x1] =	wrdreg $0xFFFFFFFF  }
0xbc: {  	s28 =	simm.s32 $_size_execute0_lowered;
	s6 =	sadd.s32 s6, s7;
	[dreg:$0x0] =	wrdreg $0x0  }
0xbd: {  	s7 =	sshll.u32 s28, $0x1;
	[dreg:$0x2] =	wrdreg s6  }
0xbe: {  	[dreg:$0x3] =	wrdreg s7  }
0xbf: {  	[dreg:$0x4] =	wrdreg $0xC0  }
0xc0: {  	_ =	task [dreg:s23], $0x5FFFF  }
0xc1: {  	[dreg:$0x1] =	wrdreg $0xFFFFFFFF  }
0xc2: {  	[dreg:$0x0] =	wrdreg $0x60  }
0xc3: {  	[dreg:$0x2] =	wrdreg s2  }
0xc4: {  	[dreg:$0x3] =	wrdreg s19  }
0xc5: {  	[dreg:$0x4] =	wrdreg s18  }
0xc6: {  	[dreg:$0x5] =	wrdreg $0xA  }
0xc7: {  	_ =	task.clear_ibuf [dreg:s23], $0x6FFFF;
	_ =	strace $0x90000049  }
0xc8: {  	s29 =	simm.s32 $0xA;
	_ =	strace $0x8000004B  }
0xc9: {  	_ =	swait.ge [sflag:s29], $0x1  }
0xca: {  	[sflag:s29] =	ssyncadd.s32 $0xFFFFFFFF  }
0xcb: {  	_ =	strace $0x9000004B  }
0xcc: {  	_ =	sfence  }
0xcd: {  	s30 =	sld [smem:$0x0];
	_ =	sdelay $0x2  }
0xce: {  	s31 =	sshll.u32 s1, $0xD;
	s1 =	sshrl.u32 s1, $0x2  }
0xcf: {  	s4 =	sand.u32 $0x4000, s31;
	s1 =	sadd.s32 s1, s30  }
0xd0: {  	s0 =	sor.u32 s4, s0;
	s1 =	sshll.u32 s1, $0x11  }
0xd1: {  	s0 =	sor.u32 s1, s0  }
0xd2: {  	s0 =	sadd.s32 $0x8F2B, s0  }
0xd3: {  	[sflag:s0] =	ssyncadd.remote.s32 $0x1  }
0xd4: {  	_ =	sfence.sel $0xFFFF  }
0xd5: {  	[dreg:$0x0] =	wrdreg $0xFFFFFFFF;
	(pc) =	sbr.abs _section_cstart, $3  }
0xd6: {  	[dreg:$0x1] =	wrdreg $0xFFFFFFFF  }
0xd7: {  	_ =	task.clear_ibuf [dreg:s23], $0x2FFFF;
	_ =	strace $0x9FFFFFFF  }
0xd8: {  	(tm) =	ssettm $0x7FFFFFFF  }
0xd9: {  	_ =	shalt  }
tec
execute0_lowered:
.L_overlay_start_1:
0x0: {  	(tag) =	ssettag $0x1  }
0x1: {  	s2 =	rddreg [dreg:$0x0]  }
0x2: {  	s3 =	rddreg [dreg:$0x1];
	s0 =	stileid.u32  }
0x3: {  	s1 =	srdreg.scid;
	s4 =	rddreg [dreg:$0x2];
	s9 =	simm.s32 $0x1  }
0x4: {  	s10 =	simm.s32 $0x3;
	s5 =	sand.u32 $0x1, s1;
	s6 =	sshll.u32 s0, $0x1  }
0x5: {  	s13 =	simm.s32 $0x0;
	s12 =	simm.s32 $0x0;
	s7 =	sor.u32 s6, s5  }
0x6: {  	s1 =	rddreg [dreg:$0x3];
	_ =	strace $0x8000004A;
	s5 =	smul.u32 $0xA0, s7  }
0x7: {  	s6 =	simm.s32 $0x1;
	p0 =	slt.u32 s7, $0x5;
	s7 =	simm.s32 $0x1400  }
.Ltmp0:
0x8: {  	s7 =	simm.s32 @!p0 $0x0;
	s8 =	ssub.s32 $0x1680, s5;
	(pc) =	sbr.rel .LBB2_1-.Ltmp0, $4  }
0x9: {  	s9 =	simm.s32 @!p0 $0x0;
	p0 =	sne.s32 s8, s7;
	s8 =	simm.s32 $0x1  }
0xa: {  	[sflag:s6] =	ssyncpa.u1 $0x0;
	s7 =	simm.s32 $0x2;
	s8 =	simm.s32 @!p0 $0x0  }
0xb: {  	s11 =	smov.u32 s5;
	[sflag:s7] =	ssyncpa.u1 $0x0;
	s8 =	sadd.s32 s9, s8  }
0xc: {  	vm0 =	vmmov $0xffff;
	[sflag:s10] =	ssyncpa.u1 $0x0;
	s10 =	simm.s32 $0x0;
	s9 =	sadd.s32 $0x1, s8  }
.LBB2_4:
0xd: {  	vm1 =	veq.s32 v0, $0x80000000;
	v63 =	vand.u32 $0x1F, v0;
	v2 =	vand.u32 $0xFF, v2  }
0xe: {  	v0 =	vsel vm1, $0xFFFFFFFF, v63;
	v2 =	vsel vm1, $0xFFFFFFFF, v2  }
0xf: {  	v3 =	vshll.u32 v0, $0x8;
	v4 =	vshll.u32 v2, $0x3  }
0x10: {  	v0 =	vshll.u32 v0, $0x7;
	v3 =	vand.u32 $0xFFFFF800, v3;
	v4 =	vand.u32 $0xFFFFFC00, v4  }
0x11: {  	v0 =	vand.u32 $0x380, v0;
	v3 =	vadd.s32 v3, v4  }
0x12: {  	v2 =	vand.u32 $0x7F, v2;
	v0 =	vor.u32 v0, v3  }
0x13: {  	v0 =	vor.u32 v2, v0;
	_ =	sdelay $0x1  }
0x14: {  	(ifvalue) =	ssetifvalue $0x7FFFFFFF;
	s15 =	sadd.s32 $0x10, s15  }
0x15: {  	[tilespmem:s15], [sflag:$0x1] =	stream.indirect_vreg.gather [hbm4b:s2+s10], $0x1, v1, vm0, $0x4038;
	[tilespmem:$0x280] =	vst v63  }
0x16: {  	(ifvalue) =	ssetifvalue $0x7FFFFFFF;
	s15 =	sadd.s32 $0x10, s15  }
0x17: {  	[tilespmem:s15], [sflag:$0x1] =	stream.indirect_vreg.gather [hbm4b:s2+s10], $0x1, v0, vm0, $0x4038;
	[tilespmem:$0x280] =	vst v63  }
0x18: {  	_ =	swait.ge [sflag:s6], $0xA0  }
0x19: {  	s30 =	sshrl.u32 s13, $0x3;
	[sflag:s6] =	ssyncset.done $0x0  }
0x1a: {  	s31 =	sand.u32 $0x7, s13;
	s15 =	sadd.s32 s4, s30;
	[sflag:s6] =	ssyncadd.s32 $0xFFFFFF60  }
0x1b: {  	[hbm4b:s15+s31] =	stream.linear.scatter [tilespmem:s14], [sflag:$0x3], $0xA0, $0x38;
	[tilespmem:$0x280] =	vst v63  }
.LBB2_5:
0x1c: {  	s15 =	sadd.s32 $0x1400, s11  }
0x1d: {  	p1 =	sgt.s32 s15, $0x167F  }
0x1e: {  	s15 =	smov.u32 @p1 s5;
	p1 =	sne.s32 s12, s9  }
.Ltmp1:
0x1f: {  	p0 =	slt.u32 s12, $0x2;
	(pc) =	sbr.rel @!p1 .LBB2_6-.Ltmp1, $4  }
0x20: {  	s14 =	simm.s32 @!p0 $0x3  }
0x21: {  	_ =	swait.ge @!p0 [sflag:s14], $0xA0  }
0x22: {  	s16 =	sadd.s32 $0x1, s12;
	s13 =	smov.u32 s11;
	[sflag:s14] =	ssyncset.done @!p0 $0x0  }
0x23: {  	s12 =	smov.u32 s16;
	s11 =	smov.u32 s15;
	[sflag:s14] =	ssyncadd.s32 @!p0 $0xFFFFFF60  }
.LBB2_1:
0x24: {  	p0 =	sge.u32 s12, s8  }
0x25: {  	s14 =	sxor.u32 @!p0 $0x1, s12  }
0x26: {  	s14 =	smul.u32 @!p0 $0x280, s14  }
0x27: {  	s31 =	sadd.s32 $0xFFFFFFFF, s12;
	s15 =	sshrl.u32 @!p0 s11, $0x3  }
0x28: {  	s16 =	sand.u32 @!p0 $0x7, s11;
	s15 =	sadd.s32 @!p0 s3, s15;
	s14 =	sshra.s32 @!p0 s14, $0x2  }
0x29: {  	[tilespmem:s14], [sflag:$0x2] =	stream.linear.gather @!p0 [hbm4b:s15+s16], $0xA0, $0x38;
	[tilespmem:$0x280] =	vst v63  }
0x2a: {  	p0 =	sge.u32 s31, s8  }
.Ltmp2:
0x2b: {  	_ = 	snop;
	(pc) =	sbr.rel @p0 .LBB2_5-.Ltmp2, $1  }
0x2c: {  	_ =	sdelay $0x3  }
0x2d: {  	s14 =	sand.u32 $0x1, s12  }
0x2e: {  	_ =	swait.ge [sflag:s7], $0xA0;
	p0 =	seq.s32 s14, $0x1;
	s14 =	simm.s32 $0xA0  }
0x2f: {  	[sflag:s7] =	ssyncset.done $0x0;
	s14 =	simm.s32 @!p0 $0x0  }
0x30: {  	[sflag:s7] =	ssyncadd.s32 $0xFFFFFF60;
	(ifvalue) =	ssetifvalue $0x7FFFFFFF;
	v0 =	vld.msk [tilespmem:s14+$0x0 ss:$0x1], $0xffff;
	_ =	sdelay $0x3  }
0x31: {  	s15 =	sadd.s32 $0x10, s14  }
0x32: {  	v2 =	vld.msk [tilespmem:s15+$0x0 ss:$0x1], $0xffff;
	v1 =	vshrl.u32 v0, $0x5  }
0x33: {  	vm1 =	veq.s32 v0, $0x80000000;
	v0 =	vand.u32 $0x1F, v0;
	v1 =	vand.u32 $0xFF, v1  }
0x34: {  	v0 =	vsel vm1, $0xFFFFFFFF, v0;
	v1 =	vsel vm1, $0xFFFFFFFF, v1  }
0x35: {  	v3 =	vshll.u32 v0, $0x8;
	v4 =	vshll.u32 v1, $0x3  }
0x36: {  	v0 =	vshll.u32 v0, $0x7;
	v3 =	vand.u32 $0xFFFFF800, v3;
	v4 =	vand.u32 $0xFFFFFC00, v4  }
0x37: {  	vm1 =	veq.s32 v2, $0x80000000;
	v0 =	vand.u32 $0x380, v0;
	v3 =	vadd.s32 v3, v4  }
0x38: {  	v1 =	vand.u32 $0x7F, v1;
	v0 =	vor.u32 v0, v3;
	v3 =	vshrl.u32 v2, $0x5  }
0x39: {  	s15 =	sadd.s32 $0x10, s15;
	v2 =	vand.u32 $0x1F, v2;
	v1 =	vor.u32 v1, v0;
	v3 =	vand.u32 $0xFF, v3  }
0x3a: {  	v0 =	vld.msk [tilespmem:s15+$0x0 ss:$0x1], $0xffff;
	v2 =	vsel vm1, $0xFFFFFFFF, v2;
	v3 =	vsel vm1, $0xFFFFFFFF, v3  }
0x3b: {  	v63 =	vshll.u32 v2, $0x8;
	v5 =	vshll.u32 v3, $0x3  }
0x3c: {  	v2 =	vshll.u32 v2, $0x7;
	v4 =	vand.u32 $0xFFFFF800, v63;
	v5 =	vand.u32 $0xFFFFFC00, v5  }
0x3d: {  	s14 =	sor.u32 $0x140, s14;
	(ifvalue) =	ssetifvalue $0x7FFFFFFF;
	v2 =	vand.u32 $0x380, v2;
	v4 =	vadd.s32 v4, v5  }
0x3e: {  	[tilespmem:s14], [sflag:$0x1] =	stream.indirect_vreg.gather [hbm4b:s2+s10], $0x1, v1, vm0, $0x4038;
	v1 =	vand.u32 $0x7F, v3;
	v3 =	vor.u32 v2, v4;
	[tilespmem:$0x280] =	vst v63  }
0x3f: {  	s16 =	simm.s32 $0x20;
	s17 =	sadd.s32 $0x10, s15;
	s15 =	smov.u32 s14;
	v2 =	vshrl.u32 v0, $0x5;
	v1 =	vor.u32 v1, v3  }
.LBB2_3:
0x40: {  	s16 =	sadd.s32 $0x10, s16;
	vm1 =	veq.s32 v0, $0x80000000;
	v3 =	vand.u32 $0x1F, v0;
	v0 =	vld.msk [tilespmem:s17+$0x0 ss:$0x1], $0xffff;
	v2 =	vand.u32 $0xFF, v2  }
0x41: {  	p0 =	slt.u32 s16, $0x90;
	v3 =	vsel vm1, $0xFFFFFFFF, v3;
	v2 =	vsel vm1, $0xFFFFFFFF, v2  }
.Ltmp3:
0x42: {  	v4 =	vshll.u32 v3, $0x8;
	v5 =	vshll.u32 v2, $0x3;
	(pc) =	sbr.rel @p0 .LBB2_3-.Ltmp3, $4  }
0x43: {  	s15 =	sadd.s32 $0x10, s15;
	v3 =	vshll.u32 v3, $0x7;
	v4 =	vand.u32 $0xFFFFF800, v4;
	v5 =	vand.u32 $0xFFFFFC00, v5;
	(ifvalue) =	ssetifvalue $0x7FFFFFFF  }
0x44: {  	v3 =	vand.u32 $0x380, v3;
	v4 =	vadd.s32 v4, v5;
	[tilespmem:s15], [sflag:$0x1] =	stream.indirect_vreg.gather [hbm4b:s2+s10], $0x1, v1, vm0, $0x4038;
	[tilespmem:$0x280] =	vst v63  }
0x45: {  	v1 =	vand.u32 $0x7F, v2;
	v3 =	vor.u32 v3, v4  }
0x46: {  	s17 =	sadd.s32 $0x10, s17;
	v2 =	vshrl.u32 v0, $0x5;
	v1 =	vor.u32 v1, v3  }
.Ltmp4:
0x47: {  	_ = 	snop;
	(pc) =	sbr.rel .LBB2_4-.Ltmp4, $1  }
0x48: {  	_ =	sdelay $0x3  }
.LBB2_6:
0x49: {  	_ =	sfence.sel $0x180000  }
0x4a: {  	s2 =	simm.s32 $0x2;
	[bflag:$0x0] =	sbarrier.arrive $0xFFFF  }
0x4b: {  	s30 =	simm.s32 $0x3;
	[sflag:s2] =	ssyncpa.u1 $0x1  }
0x4c: {  	s31 =	simm.s32 $0x1;
	[sflag:s30] =	ssyncpa.u1 $0x1  }
0x4d: {  	[sflag:s31] =	ssyncpa.u1 $0x1  }
0x4e: {  	p0 =	sne.s32 s0, $0x0;
	_ =	strace $0x9000004A  }
0x4f: {  	s0 =	sadd.s32 @!p0 $0x100000, s1;
	[bflag:$0x2] =	sbarrier.arrive $0xFFFF  }
0x50: {  	[sflag:s0] =	ssyncadd.tile.s32 @!p0 $0x1;
	_ =	shalt  }
.Lfunc_end2:
_tile_overlayer_lowered:
.L_overlay_start_2:
0x51: {  	(tag) =	ssettag $0x2  }
0x52: {  	s0 =	rddreg [dreg:$0x0];
	s2 =	stileid.u32  }
0x53: {  	s1 =	rddreg [dreg:$0x1];
	p0 =	sne.s32 s2, $0x0  }
0x54: {  	s3 =	rddreg [dreg:$0x2];
	[bflag:$0x3] =	sbarrier.arrive $0xFFFF;
	s2 =	simm.s32 @!p0 $0x1C01  }
0x55: {  	[timem:s3], [sflag:s2] =	dma.local @!p0 [hbm:s0], s1  }
0x56: {  	s0 =	simm.s32 @!p0 $0x1  }
0x57: {  	_ =	swait.ge @!p0 [sflag:s0], s1  }
0x58: {  	s1 =	ssub.s32 @!p0 $0x0, s1;
	[sflag:s0] =	ssyncset.done @!p0 $0x0  }
0x59: {  	[sflag:s0] =	ssyncadd.s32 @!p0 s1  }
0x5a: {  	[bflag:$0x3] =	sbarrier.arrive $0xFFFF  }
0x5b: {  	_ =	shalt  }

// kernel: gather_offload_async_start.2
scs
__scs_entry_jumppad:
0x0: {  	(pc) =	sbr.rel $0x88, $3  }
0x1: {  	(tag) =	ssettag $0x0;
	lr =	simm.s32 $0x1  }
0x2: {  	[smem:$0x3F91] =	sst lr;
	_ =	strace $0xD0000000  }
0x3: {  	_ = 	snop  }
0x4: {  	_ = 	snop  }
0x5: {  	_ = 	snop  }
0x6: {  	_ = 	snop  }
0x7: {  	_ = 	snop  }
__scs_overlays_trampoline_lowered:
0x8: {  	[smem:$0x3FA0] =	sst s0  }
0x9: {  	[smem:$0x3FA1] =	sst s1  }
0xa: {  	[smem:$0x3FA2] =	sst s2  }
0xb: {  	[smem:$0x3FA3] =	sst s3  }
0xc: {  	[smem:$0x3FA4] =	sst s4  }
0xd: {  	[smem:$0x3FA5] =	sst s5  }
0xe: {  	[smem:$0x3FA6] =	sst s6  }
0xf: {  	[smem:$0x3FA7] =	sst s7  }
0x10: {  	[smem:$0x3FA8] =	sst s8  }
0x11: {  	[smem:$0x3FA9] =	sst s9;
	s0 =	simm.s32 @!p0 $0x0  }
0x12: {  	s1 =	sld [smem:$0x3F8F];
	s0 =	simm.s32 @p0 $0x1  }
0x13: {  	[smem:$0x3FAA] =	sst s0;
	s0 =	simm.s32 @!p1 $0x0  }
0x14: {  	s2 =	sld [smem:$0x3F8E];
	s0 =	simm.s32 @p1 $0x1  }
0x15: {  	[smem:$0x3FAB] =	sst s0;
	s0 =	simm.s32 @!p2 $0x0  }
0x16: {  	s3 =	sld [smem:$0x3FDB];
	s0 =	simm.s32 @p2 $0x1  }
0x17: {  	s4 =	simm.s32 $0x1BF5;
	[smem:$0x3FAD] =	sst s0  }
0x18: {  	s0 =	sld [smem:$0x3F90];
	_ =	swait.ge [sflag:s4], $0x0  }
0x19: {  	s7 =	sld [smem:$0x3F91]  }
0x1a: {  	s8 =	sadd.s32 $0xFFFFE003, lr  }
0x1b: {  	s9 =	sadd.s32 $0xFFFFFEF7, lr;
	s5 =	simm.s32 $0xFFFFFFFF;
	p2 =	slt.u32 s8, $0xFFFFF086  }
0x1c: {  	p1 =	slt.u32 s9, $0xF7A;
	s5 =	simm.s32 @!p2 $0x0  }
0x1d: {  	s5 =	simm.s32 @p1 $0x1;
	p0 =	seq.s32 s7, s2  }
0x1e: {  	s7 =	smul.u32 @!p0 $0xF7A, s2;
	p2 =	seq.s32 @!p0 s5, $0x0  }
0x1f: {  	s9 =	smul.u32 $0xF7A, s1;
	s8 =	simm.s32 @!p0 $0x1BF5;
	p2 =	por !p2, p0  }
0x20: {  	[sflag:s8] =	ssyncset.s32 @!p0 $0xFFFFF086;
	s6 =	sadd.s32 @!p0 s3, s7;
	s7 =	simm.s32 @!p0 $0x108  }
0x21: {  	s3 =	sadd.s32 s3, s9;
	s6 =	sadd.s32 @!p0 $0x88, s6;
	s7 =	simm.s32 @p2 $0x1082  }
0x22: {  	[simem:s7], [sflag:s8] =	dma.local @!p0 [hbm:s6], $0xF7A  }
0x23: {  	s9 =	sor.u32 $0xD0000000, s2;
	s6 =	simm.s32 $0x108;
	_ =	swait.ge @!p0 [sflag:s8], $0x0  }
0x24: {  	s3 =	sadd.s32 $0x88, s3;
	s6 =	simm.s32 @!p1 $0x1082;
	[sflag:s4] =	ssyncset.s32 $0xFFFFF086  }
0x25: {  	[simem:s6], [sflag:s4] =	dma.local [hbm:s3], $0xF7A  }
0x26: {  	[smem:$0x3F91] =	sst s1;
	(tag) =	ssettag s2;
	_ =	strace s9  }
0x27: {  	s1 =	sld [smem:$0x3FA1]  }
0x28: {  	s2 =	sld [smem:$0x3FA2]  }
0x29: {  	s4 =	sld [smem:$0x3FA4]  }
0x2a: {  	p0 =	seq.s32 s5, $0x0;
	s5 =	sld [smem:$0x3FA5]  }
0x2b: {  	s6 =	sld [smem:$0x3FA6]  }
0x2c: {  	s7 =	sld [smem:$0x3FA7]  }
0x2d: {  	s3 =	simm.s32 $0x108;
	s8 =	sld [smem:$0x3FA8]  }
0x2e: {  	s3 =	simm.s32 @!p0 $0x1082;
	s9 =	sld [smem:$0x3FA9]  }
0x2f: {  	lr =	sadd.s32 s0, s3;
	s0 =	sld [smem:$0x3FA0]  }
0x30: {  	s3 =	sld [smem:$0x3FA3]  }
0x31: {  	[smem:$0x3FAC] =	sst s10  }
0x32: {  	s10 =	sld [smem:$0x3FAA];
	_ =	sdelay $0x3  }
0x33: {  	p0 =	seq.s32 s10, $0x1;
	s10 =	sld [smem:$0x3FAC];
	_ =	sdelay $0x3  }
0x34: {  	[smem:$0x3FAC] =	sst s10  }
0x35: {  	s10 =	sld [smem:$0x3FAB];
	_ =	sdelay $0x3  }
0x36: {  	p1 =	seq.s32 s10, $0x1;
	s10 =	sld [smem:$0x3FAC];
	_ =	sdelay $0x3  }
0x37: {  	[smem:$0x3FAC] =	sst s10  }
0x38: {  	s10 =	sld [smem:$0x3FAD]  }
0x39: {  	_ = 	snop;
	(pc) =	sbr.ind lr, $3  }
0x3a: {  	_ = 	snop  }
0x3b: {  	_ = 	snop  }
0x3c: {  	p2 =	seq.s32 s10, $0x1;
	s10 =	sld [smem:$0x3FAC]  }
0x3d: {  	_ =	shalt  }
0x3e: {  	_ =	shalt  }
0x3f: {  	_ =	shalt  }
0x40: {  	_ =	shalt  }
0x41: {  	_ =	shalt  }
0x42: {  	_ =	shalt  }
0x43: {  	_ =	shalt  }
0x44: {  	_ =	shalt  }
0x45: {  	_ =	shalt  }
0x46: {  	_ =	shalt  }
0x47: {  	_ =	shalt  }
0x48: {  	_ =	shalt  }
0x49: {  	_ =	shalt  }
0x4a: {  	_ =	shalt  }
0x4b: {  	_ =	shalt  }
0x4c: {  	_ =	shalt  }
0x4d: {  	_ =	shalt  }
0x4e: {  	_ =	shalt  }
0x4f: {  	_ =	shalt  }
0x50: {  	_ =	shalt  }
0x51: {  	_ =	shalt  }
0x52: {  	_ =	shalt  }
0x53: {  	_ =	shalt  }
0x54: {  	_ =	shalt  }
0x55: {  	_ =	shalt  }
0x56: {  	_ =	shalt  }
0x57: {  	_ =	shalt  }
0x58: {  	_ =	shalt  }
0x59: {  	_ =	shalt  }
0x5a: {  	_ =	shalt  }
0x5b: {  	_ =	shalt  }
0x5c: {  	_ =	shalt  }
0x5d: {  	_ =	shalt  }
0x5e: {  	_ =	shalt  }
0x5f: {  	_ =	shalt  }
0x60: {  	_ =	shalt  }
0x61: {  	_ =	shalt  }
0x62: {  	_ =	shalt  }
0x63: {  	_ =	shalt  }
0x64: {  	_ =	shalt  }
0x65: {  	_ =	shalt  }
0x66: {  	_ =	shalt  }
0x67: {  	_ =	shalt  }
0x68: {  	_ =	shalt  }
0x69: {  	_ =	shalt  }
0x6a: {  	_ =	shalt  }
0x6b: {  	_ =	shalt  }
0x6c: {  	_ =	shalt  }
0x6d: {  	_ =	shalt  }
0x6e: {  	_ =	shalt  }
0x6f: {  	_ =	shalt  }
0x70: {  	_ =	shalt  }
0x71: {  	_ =	shalt  }
0x72: {  	_ =	shalt  }
0x73: {  	_ =	shalt  }
0x74: {  	_ =	shalt  }
0x75: {  	_ =	shalt  }
0x76: {  	_ =	shalt  }
0x77: {  	_ =	shalt  }
0x78: {  	_ =	shalt  }
0x79: {  	_ =	shalt  }
0x7a: {  	_ =	shalt  }
0x7b: {  	_ =	shalt  }
0x7c: {  	_ =	shalt  }
0x7d: {  	_ =	shalt  }
0x7e: {  	_ =	shalt  }
0x7f: {  	_ =	shalt  }
0x80: {  	_ =	shalt  }
0x81: {  	_ =	shalt  }
0x82: {  	_ =	shalt  }
0x83: {  	_ =	shalt  }
0x84: {  	_ =	shalt  }
0x85: {  	_ =	shalt  }
0x86: {  	_ =	shalt  }
0x87: {  	_ =	shalt  }
.Lfunc_end0:
.L_simem_size_0:
called_computation.2_lowered:
.L_overlay_start_0:
0x88: {  	s2 =	sld [smem:$0x3FD9]  }
0x89: {  	s3 =	sld [smem:$0x3FFE];
	_ =	sdelay $0x1  }
0x8a: {  	s1 =	srdreg.scid  }
0x8b: {  	s0 =	sand.u32 $0x1, s1  }
0x8c: {  	s15 =	sshll.u32 s0, $0xA;
	s2 =	sadd.s32 s3, s2  }
0x8d: {  	s2 =	sadd.s32 s2, s15  }
0x8e: {  	[smem:$0x3FB8] =	sst s2  }
0x8f: {  	_ = 	snop  }
0x90: {  	s2 =	sld [smem:$0x3FD0];
	_ =	sdelay $0x2  }
0x91: {  	s4 =	simm.s32 $0xB;
	s5 =	simm.s32 $0x10;
	s16 =	sld [smem:$0x3FC7]  }
0x92: {  	[smem:s5], [sflag:s4] =	dma.local [hbm:s2], $0x1  }
0x93: {  	_ =	swait.eq [sflag:s4], $0x1  }
0x94: {  	[sflag:s4] =	ssyncset.done $0x0  }
0x95: {  	s17 =	sld [smem:$0x10];
	[sflag:s4] =	ssyncadd.s32 $0xFFFFFFFF  }
0x96: {  	s18 =	sld [smem:$0x15];
	(tm) =	ssettm $0x1  }
0x97: {  	s19 =	sld [smem:$0x3FFB];
	_ =	sdelay $0x3  }
0x98: {  	_ =	strace s19  }
0x99: {  	s5 =	sld [smem:$0x3FFC];
	_ =	sdelay $0x3  }
0x9a: {  	_ =	strace s5  }
0x9b: {  	s5 =	sld [smem:$0x3FFD];
	_ =	sdelay $0x3  }
0x9c: {  	_ =	strace s5  }
0x9d: {  	_ =	strace $0x8FFFFFFF  }
0x9e: {  	s20 =	sld [smem:$0x3FDB];
	_ =	sdelay $0x1  }
0x9f: {  	s6 =	simm.s32 $_scs_section_size  }
0xa0: {  	s7 =	simm.s32 $_size__tile_overlayer_lowered;
	s8 =	simm.s32 $_tile_overlayer_lowered  }
0xa1: {  	s23 =	simm.s32 $0x1BFF;
	s22 =	sshll.u32 s8, $0x1;
	s5 =	sadd.s32 s6, s20  }
0xa2: {  	s9 =	simm.s32 $0x0;
	s21 =	sshll.u32 s7, $0x1;
	s7 =	sadd.s32 s22, s5  }
0xa3: {  	[timem:s9], [sflag:s23] =	dma.local [hbm:s7], s21  }
0xa4: {  	_ =	swait.ge [sflag:s23], s21  }
0xa5: {  	s6 =	ssub.s32 $0x0, s21;
	[sflag:s23] =	ssyncset.done $0x0  }
0xa6: {  	[sflag:s23] =	ssyncadd.s32 s6;
	_ =	sdelay $0x1  }
0xa7: {  	s24 =	simm.s32 $0x1B8B  }
0xa8: {  	_ =	swait.ge [sflag:s24], $0x1  }
0xa9: {  	[sflag:s24] =	ssyncset.done $0x0  }
0xaa: {  	s25 =	simm.s32 $0x1B8E;
	[sflag:s24] =	ssyncadd.s32 $0xFFFFFFFF  }
0xab: {  	s26 =	simm.s32 $execute0_lowered;
	[smem:$0x3FD2] =	sst s25  }
0xac: {  	s6 =	sshll.u32 s26, $0x1;
	_ =	strace $0x8000004C;
	[dreg:$0x1] =	wrdreg $0xFFFFFFFF  }
0xad: {  	s28 =	simm.s32 $_size_execute0_lowered;
	s5 =	sadd.s32 s5, s6;
	[dreg:$0x0] =	wrdreg $0x0  }
0xae: {  	s6 =	sshll.u32 s28, $0x1;
	[dreg:$0x2] =	wrdreg s5  }
0xaf: {  	[dreg:$0x3] =	wrdreg s6  }
0xb0: {  	[dreg:$0x4] =	wrdreg $0xC0  }
0xb1: {  	_ =	task [dreg:s9], $0x5FFFF  }
0xb2: {  	[dreg:$0x1] =	wrdreg $0xFFFFFFFF  }
0xb3: {  	[dreg:$0x0] =	wrdreg $0x60  }
0xb4: {  	[dreg:$0x2] =	wrdreg s16  }
0xb5: {  	[dreg:$0x3] =	wrdreg s18  }
0xb6: {  	[dreg:$0x4] =	wrdreg s17  }
0xb7: {  	[dreg:$0x5] =	wrdreg $0x9  }
0xb8: {  	_ =	task.clear_ibuf [dreg:s9], $0x6FFFF;
	_ =	strace $0x9000004C  }
0xb9: {  	s29 =	simm.s32 $0x9;
	_ =	strace $0x8000004E  }
0xba: {  	_ =	swait.ge [sflag:s29], $0x1  }
0xbb: {  	[sflag:s29] =	ssyncadd.s32 $0xFFFFFFFF  }
0xbc: {  	_ =	strace $0x9000004E  }
0xbd: {  	_ =	sfence  }
0xbe: {  	s30 =	sld [smem:$0x0];
	_ =	sdelay $0x2  }
0xbf: {  	s31 =	sshll.u32 s1, $0xD;
	s1 =	sshrl.u32 s1, $0x2  }
0xc0: {  	s3 =	sand.u32 $0x4000, s31;
	s1 =	sadd.s32 s1, s30  }
0xc1: {  	s0 =	sor.u32 s3, s0;
	s1 =	sshll.u32 s1, $0x11  }
0xc2: {  	s0 =	sor.u32 s1, s0  }
0xc3: {  	s0 =	sadd.s32 $0x8F2B, s0  }
0xc4: {  	[sflag:s0] =	ssyncadd.remote.s32 $0x1  }
0xc5: {  	_ =	sfence.sel $0xFFFF  }
0xc6: {  	[dreg:$0x0] =	wrdreg $0xFFFFFFFF;
	(pc) =	sbr.abs _section_cstart, $3  }
0xc7: {  	[dreg:$0x1] =	wrdreg $0xFFFFFFFF  }
0xc8: {  	_ =	task.clear_ibuf [dreg:s9], $0x2FFFF;
	_ =	strace $0x9FFFFFFF  }
0xc9: {  	(tm) =	ssettm $0x7FFFFFFF  }
tec
execute0_lowered:
.L_overlay_start_1:
0x0: {  	(tag) =	ssettag $0x1  }
0x1: {  	s1 =	srdreg.scid;
	s2 =	rddreg [dreg:$0x0]  }
0x2: {  	s0 =	stileid.u32;
	s3 =	rddreg [dreg:$0x1]  }
0x3: {  	s4 =	rddreg [dreg:$0x2];
	s6 =	simm.s32 $0x1;
	s1 =	sshll.u32 s1, $0x6  }
0x4: {  	s9 =	simm.s32 $0x1;
	s5 =	sshll.u32 s0, $0x7;
	s1 =	sand.u32 $0x40, s1  }
0x5: {  	s10 =	simm.s32 $0x3;
	s13 =	simm.s32 $0x0;
	s5 =	sor.u32 s5, s1  }
0x6: {  	s12 =	simm.s32 $0x0;
	s1 =	rddreg [dreg:$0x3];
	s8 =	ssub.s32 $0x980, s5  }
.Ltmp0:
0x7: {  	_ =	strace $0x8000004D;
	s7 =	sand.u32 $0x7C0, s8;
	(pc) =	sbr.rel .LBB2_1-.Ltmp0, $4  }
0x8: {  	[sflag:s6] =	ssyncpa.u1 $0x0;
	s11 =	smov.u32 s5;
	p0 =	sne.s32 s7, $0x0  }
0x9: {  	s8 =	sshrl.u32 s8, $0xB;
	s7 =	simm.s32 $0x2;
	s9 =	simm.s32 @!p0 $0x0  }
0xa: {  	[sflag:s7] =	ssyncpa.u1 $0x0;
	p0 =	por $0x0, $0x0;
	s8 =	sadd.s32 s9, s8  }
0xb: {  	vm0 =	vmmov $0xffff;
	[sflag:s10] =	ssyncpa.u1 $0x0;
	s10 =	simm.s32 $0x0;
	s9 =	sadd.s32 $0x1, s8  }
.LBB2_4:
0xc: {  	vm1 =	veq.s32 v0, $0x80000000;
	v63 =	vand.u32 $0x1F, v0;
	v2 =	vand.u32 $0xFF, v2  }
0xd: {  	v0 =	vsel vm1, $0xFFFFFFFF, v63;
	v2 =	vsel vm1, $0xFFFFFFFF, v2  }
0xe: {  	v3 =	vshll.u32 v0, $0x8;
	v4 =	vshll.u32 v2, $0x3  }
0xf: {  	v0 =	vshll.u32 v0, $0x7;
	v3 =	vand.u32 $0xFFFFF800, v3;
	v4 =	vand.u32 $0xFFFFFC00, v4  }
0x10: {  	v0 =	vand.u32 $0x380, v0;
	v3 =	vadd.s32 v3, v4  }
0x11: {  	v2 =	vand.u32 $0x7F, v2;
	v0 =	vor.u32 v0, v3  }
0x12: {  	v0 =	vor.u32 v2, v0;
	_ =	sdelay $0x1  }
0x13: {  	(ifvalue) =	ssetifvalue $0x7FFFFFFF;
	s14 =	sadd.s32 $0x10, s14  }
0x14: {  	[tilespmem:s14], [sflag:$0x1] =	stream.indirect_vreg.gather [hbm4b:s2+s10], $0x1, v1, vm0, $0x4038;
	[tilespmem:$0x100] =	vst v63  }
0x15: {  	(ifvalue) =	ssetifvalue $0x7FFFFFFF;
	s14 =	sadd.s32 $0x10, s14  }
0x16: {  	[tilespmem:s14], [sflag:$0x1] =	stream.indirect_vreg.gather [hbm4b:s2+s10], $0x1, v0, vm0, $0x4038;
	[tilespmem:$0x100] =	vst v63  }
0x17: {  	_ =	swait.ge [sflag:s6], $0x40  }
0x18: {  	s30 =	sshrl.u32 s13, $0x3;
	[sflag:s6] =	ssyncset.done $0x0  }
0x19: {  	s31 =	sand.u32 $0x7, s13;
	s14 =	sadd.s32 s4, s30;
	[sflag:s6] =	ssyncadd.s32 $0xFFFFFFC0  }
0x1a: {  	[hbm4b:s14+s31] =	stream.linear.scatter [tilespmem:s15], [sflag:$0x3], $0x40, $0x38;
	[tilespmem:$0x100] =	vst v63  }
.LBB2_5:
0x1b: {  	s15 =	sadd.s32 $0x800, s11  }
0x1c: {  	p2 =	sgt.s32 s15, $0x97F  }
0x1d: {  	s15 =	smov.u32 @p2 s5;
	p2 =	sne.s32 s12, s9  }
.Ltmp1:
0x1e: {  	p1 =	slt.u32 s12, $0x2;
	(pc) =	sbr.rel @!p2 .LBB2_6-.Ltmp1, $4  }
0x1f: {  	s14 =	simm.s32 @!p1 $0x3  }
0x20: {  	s16 =	sadd.s32 $0x1, s12;
	_ =	swait.ge @!p1 [sflag:s14], $0x40  }
0x21: {  	s13 =	smov.u32 s11;
	p0 =	por !p0, !p0;
	[sflag:s14] =	ssyncset.done @!p1 $0x0  }
0x22: {  	s12 =	smov.u32 s16;
	s11 =	smov.u32 s15;
	[sflag:s14] =	ssyncadd.s32 @!p1 $0xFFFFFFC0  }
.LBB2_1:
0x23: {  	p1 =	sge.u32 s12, s8  }
0x24: {  	s14 =	sxor.u32 @!p1 $0xFFFFFFFF, s12  }
0x25: {  	s31 =	sadd.s32 $0xFFFFFFFF, s12;
	s15 =	sshrl.u32 @!p1 s11, $0x3;
	s14 =	sshll.u32 @!p1 s14, $0x6  }
0x26: {  	s16 =	sand.u32 @!p1 $0x7, s11;
	s15 =	sadd.s32 @!p1 s3, s15;
	s14 =	sand.u32 @!p1 $0x40, s14  }
0x27: {  	[tilespmem:s14], [sflag:$0x2] =	stream.linear.gather @!p1 [hbm4b:s15+s16], $0x40, $0x38;
	[tilespmem:$0x100] =	vst v63  }
0x28: {  	p1 =	sge.u32 s31, s8  }
.Ltmp2:
0x29: {  	_ = 	snop;
	(pc) =	sbr.rel @p1 .LBB2_5-.Ltmp2, $1  }
0x2a: {  	_ =	sdelay $0x3  }
0x2b: {  	s14 =	simm.s32 $0x1  }
0x2c: {  	_ =	swait.ge [sflag:s7], $0x40;
	s14 =	simm.s32 @!p0 $0x0  }
0x2d: {  	[sflag:s7] =	ssyncset.done $0x0;
	s14 =	sshll.u32 s14, $0x6  }
0x2e: {  	[sflag:s7] =	ssyncadd.s32 $0xFFFFFFC0;
	(ifvalue) =	ssetifvalue $0x7FFFFFFF;
	v0 =	vld.msk [tilespmem:s14+$0x0 ss:$0x1], $0xffff;
	_ =	sdelay $0x3  }
0x2f: {  	s15 =	sadd.s32 $0x10, s14  }
0x30: {  	v2 =	vld.msk [tilespmem:s15+$0x0 ss:$0x1], $0xffff;
	v1 =	vshrl.u32 v0, $0x5  }
0x31: {  	vm1 =	veq.s32 v0, $0x80000000;
	v0 =	vand.u32 $0x1F, v0;
	v1 =	vand.u32 $0xFF, v1  }
0x32: {  	v0 =	vsel vm1, $0xFFFFFFFF, v0;
	v1 =	vsel vm1, $0xFFFFFFFF, v1  }
0x33: {  	v3 =	vshll.u32 v0, $0x8;
	v4 =	vshll.u32 v1, $0x3  }
0x34: {  	v0 =	vshll.u32 v0, $0x7;
	v3 =	vand.u32 $0xFFFFF800, v3;
	v4 =	vand.u32 $0xFFFFFC00, v4  }
0x35: {  	vm1 =	veq.s32 v2, $0x80000000;
	v0 =	vand.u32 $0x380, v0;
	v3 =	vadd.s32 v3, v4  }
0x36: {  	v1 =	vand.u32 $0x7F, v1;
	v0 =	vor.u32 v0, v3;
	v3 =	vshrl.u32 v2, $0x5  }
0x37: {  	s17 =	sadd.s32 $0x10, s15;
	v2 =	vand.u32 $0x1F, v2;
	v1 =	vor.u32 v1, v0;
	v3 =	vand.u32 $0xFF, v3  }
0x38: {  	v0 =	vld.msk [tilespmem:s17+$0x0 ss:$0x1], $0xffff;
	v2 =	vsel vm1, $0xFFFFFFFF, v2;
	v3 =	vsel vm1, $0xFFFFFFFF, v3  }
0x39: {  	v63 =	vshll.u32 v2, $0x8;
	v5 =	vshll.u32 v3, $0x3  }
0x3a: {  	s31 =	sshll.u32 s12, $0x6;
	v2 =	vshll.u32 v2, $0x7;
	v4 =	vand.u32 $0xFFFFF800, v63;
	v5 =	vand.u32 $0xFFFFFC00, v5  }
0x3b: {  	s14 =	sor.u32 $0x80, s14;
	s15 =	sand.u32 $0x40, s31;
	(ifvalue) =	ssetifvalue $0x7FFFFFFF;
	v2 =	vand.u32 $0x380, v2;
	v4 =	vadd.s32 v4, v5  }
0x3c: {  	[tilespmem:s14], [sflag:$0x1] =	stream.indirect_vreg.gather [hbm4b:s2+s10], $0x1, v1, vm0, $0x4038;
	v1 =	vand.u32 $0x7F, v3;
	v3 =	vor.u32 v2, v4;
	[tilespmem:$0x100] =	vst v63  }
0x3d: {  	s16 =	simm.s32 $0x20;
	s15 =	sor.u32 $0x80, s15;
	s17 =	sadd.s32 $0x10, s17;
	v2 =	vshrl.u32 v0, $0x5;
	v1 =	vor.u32 v1, v3  }
.LBB2_3:
0x3e: {  	s16 =	sadd.s32 $0x10, s16;
	vm1 =	veq.s32 v0, $0x80000000;
	v3 =	vand.u32 $0x1F, v0;
	v0 =	vld.msk [tilespmem:s17+$0x0 ss:$0x1], $0xffff;
	v2 =	vand.u32 $0xFF, v2  }
0x3f: {  	p1 =	slt.u32 s16, $0x30;
	v3 =	vsel vm1, $0xFFFFFFFF, v3;
	v2 =	vsel vm1, $0xFFFFFFFF, v2  }
.Ltmp3:
0x40: {  	v4 =	vshll.u32 v3, $0x8;
	v5 =	vshll.u32 v2, $0x3;
	(pc) =	sbr.rel @p1 .LBB2_3-.Ltmp3, $4  }
0x41: {  	s14 =	sadd.s32 $0x10, s14;
	v3 =	vshll.u32 v3, $0x7;
	v4 =	vand.u32 $0xFFFFF800, v4;
	v5 =	vand.u32 $0xFFFFFC00, v5;
	(ifvalue) =	ssetifvalue $0x7FFFFFFF  }
0x42: {  	v3 =	vand.u32 $0x380, v3;
	v4 =	vadd.s32 v4, v5;
	[tilespmem:s14], [sflag:$0x1] =	stream.indirect_vreg.gather [hbm4b:s2+s10], $0x1, v1, vm0, $0x4038;
	[tilespmem:$0x100] =	vst v63  }
0x43: {  	v1 =	vand.u32 $0x7F, v2;
	v3 =	vor.u32 v3, v4  }
0x44: {  	s17 =	sadd.s32 $0x10, s17;
	v2 =	vshrl.u32 v0, $0x5;
	v1 =	vor.u32 v1, v3  }
.Ltmp4:
0x45: {  	_ = 	snop;
	(pc) =	sbr.rel .LBB2_4-.Ltmp4, $1  }
0x46: {  	_ =	sdelay $0x3  }
.LBB2_6:
0x47: {  	_ =	sfence.sel $0x180000  }
0x48: {  	s2 =	simm.s32 $0x2;
	[bflag:$0x0] =	sbarrier.arrive $0xFFFF  }
0x49: {  	s30 =	simm.s32 $0x3;
	[sflag:s2] =	ssyncpa.u1 $0x1  }
0x4a: {  	s31 =	simm.s32 $0x1;
	[sflag:s30] =	ssyncpa.u1 $0x1  }
0x4b: {  	[sflag:s31] =	ssyncpa.u1 $0x1  }
0x4c: {  	p0 =	sne.s32 s0, $0x0;
	_ =	strace $0x9000004D  }
0x4d: {  	s0 =	sadd.s32 @!p0 $0x100000, s1;
	[bflag:$0x2] =	sbarrier.arrive $0xFFFF  }
0x4e: {  	[sflag:s0] =	ssyncadd.tile.s32 @!p0 $0x1;
	_ =	shalt  }
.Lfunc_end2:
_tile_overlayer_lowered:
.L_overlay_start_2:
0x4f: {  	(tag) =	ssettag $0x2  }
0x50: {  	s0 =	rddreg [dreg:$0x0];
	s2 =	stileid.u32  }
0x51: {  	s1 =	rddreg [dreg:$0x1];
	p0 =	sne.s32 s2, $0x0  }
0x52: {  	s3 =	rddreg [dreg:$0x2];
	[bflag:$0x3] =	sbarrier.arrive $0xFFFF;
	s2 =	simm.s32 @!p0 $0x1C01  }
0x53: {  	[timem:s3], [sflag:s2] =	dma.local @!p0 [hbm:s0], s1  }
0x54: {  	s0 =	simm.s32 @!p0 $0x1  }
0x55: {  	_ =	swait.ge @!p0 [sflag:s0], s1  }
0x56: {  	s1 =	ssub.s32 @!p0 $0x0, s1;
	[sflag:s0] =	ssyncset.done @!p0 $0x0  }
0x57: {  	[sflag:s0] =	ssyncadd.s32 @!p0 s1  }
0x58: {  	[bflag:$0x3] =	sbarrier.arrive $0xFFFF  }
0x59: {  	_ =	shalt  }

// kernel: gather_offload_async_start.3
scs
__scs_entry_jumppad:
0x0: {  	(pc) =	sbr.rel $0x88, $3  }
0x1: {  	(tag) =	ssettag $0x0;
	lr =	simm.s32 $0x1  }
0x2: {  	[smem:$0x3F91] =	sst lr;
	_ =	strace $0xD0000000  }
0x3: {  	_ = 	snop  }
0x4: {  	_ = 	snop  }
0x5: {  	_ = 	snop  }
0x6: {  	_ = 	snop  }
0x7: {  	_ = 	snop  }
__scs_overlays_trampoline_lowered:
0x8: {  	[smem:$0x3FA0] =	sst s0  }
0x9: {  	[smem:$0x3FA1] =	sst s1  }
0xa: {  	[smem:$0x3FA2] =	sst s2  }
0xb: {  	[smem:$0x3FA3] =	sst s3  }
0xc: {  	[smem:$0x3FA4] =	sst s4  }
0xd: {  	[smem:$0x3FA5] =	sst s5  }
0xe: {  	[smem:$0x3FA6] =	sst s6  }
0xf: {  	[smem:$0x3FA7] =	sst s7  }
0x10: {  	[smem:$0x3FA8] =	sst s8  }
0x11: {  	[smem:$0x3FA9] =	sst s9;
	s0 =	simm.s32 @!p0 $0x0  }
0x12: {  	s1 =	sld [smem:$0x3F8F];
	s0 =	simm.s32 @p0 $0x1  }
0x13: {  	[smem:$0x3FAA] =	sst s0;
	s0 =	simm.s32 @!p1 $0x0  }
0x14: {  	s2 =	sld [smem:$0x3F8E];
	s0 =	simm.s32 @p1 $0x1  }
0x15: {  	[smem:$0x3FAB] =	sst s0;
	s0 =	simm.s32 @!p2 $0x0  }
0x16: {  	s3 =	sld [smem:$0x3FDB];
	s0 =	simm.s32 @p2 $0x1  }
0x17: {  	s4 =	simm.s32 $0x1BF5;
	[smem:$0x3FAD] =	sst s0  }
0x18: {  	s0 =	sld [smem:$0x3F90];
	_ =	swait.ge [sflag:s4], $0x0  }
0x19: {  	s7 =	sld [smem:$0x3F91]  }
0x1a: {  	s8 =	sadd.s32 $0xFFFFE003, lr  }
0x1b: {  	s9 =	sadd.s32 $0xFFFFFEF7, lr;
	s5 =	simm.s32 $0xFFFFFFFF;
	p2 =	slt.u32 s8, $0xFFFFF086  }
0x1c: {  	p1 =	slt.u32 s9, $0xF7A;
	s5 =	simm.s32 @!p2 $0x0  }
0x1d: {  	s5 =	simm.s32 @p1 $0x1;
	p0 =	seq.s32 s7, s2  }
0x1e: {  	s7 =	smul.u32 @!p0 $0xF7A, s2;
	p2 =	seq.s32 @!p0 s5, $0x0  }
0x1f: {  	s9 =	smul.u32 $0xF7A, s1;
	s8 =	simm.s32 @!p0 $0x1BF5;
	p2 =	por !p2, p0  }
0x20: {  	[sflag:s8] =	ssyncset.s32 @!p0 $0xFFFFF086;
	s6 =	sadd.s32 @!p0 s3, s7;
	s7 =	simm.s32 @!p0 $0x108  }
0x21: {  	s3 =	sadd.s32 s3, s9;
	s6 =	sadd.s32 @!p0 $0x88, s6;
	s7 =	simm.s32 @p2 $0x1082  }
0x22: {  	[simem:s7], [sflag:s8] =	dma.local @!p0 [hbm:s6], $0xF7A  }
0x23: {  	s9 =	sor.u32 $0xD0000000, s2;
	s6 =	simm.s32 $0x108;
	_ =	swait.ge @!p0 [sflag:s8], $0x0  }
0x24: {  	s3 =	sadd.s32 $0x88, s3;
	s6 =	simm.s32 @!p1 $0x1082;
	[sflag:s4] =	ssyncset.s32 $0xFFFFF086  }
0x25: {  	[simem:s6], [sflag:s4] =	dma.local [hbm:s3], $0xF7A  }
0x26: {  	[smem:$0x3F91] =	sst s1;
	(tag) =	ssettag s2;
	_ =	strace s9  }
0x27: {  	s1 =	sld [smem:$0x3FA1]  }
0x28: {  	s2 =	sld [smem:$0x3FA2]  }
0x29: {  	s4 =	sld [smem:$0x3FA4]  }
0x2a: {  	p0 =	seq.s32 s5, $0x0;
	s5 =	sld [smem:$0x3FA5]  }
0x2b: {  	s6 =	sld [smem:$0x3FA6]  }
0x2c: {  	s7 =	sld [smem:$0x3FA7]  }
0x2d: {  	s3 =	simm.s32 $0x108;
	s8 =	sld [smem:$0x3FA8]  }
0x2e: {  	s3 =	simm.s32 @!p0 $0x1082;
	s9 =	sld [smem:$0x3FA9]  }
0x2f: {  	lr =	sadd.s32 s0, s3;
	s0 =	sld [smem:$0x3FA0]  }
0x30: {  	s3 =	sld [smem:$0x3FA3]  }
0x31: {  	[smem:$0x3FAC] =	sst s10  }
0x32: {  	s10 =	sld [smem:$0x3FAA];
	_ =	sdelay $0x3  }
0x33: {  	p0 =	seq.s32 s10, $0x1;
	s10 =	sld [smem:$0x3FAC];
	_ =	sdelay $0x3  }
0x34: {  	[smem:$0x3FAC] =	sst s10  }
0x35: {  	s10 =	sld [smem:$0x3FAB];
	_ =	sdelay $0x3  }
0x36: {  	p1 =	seq.s32 s10, $0x1;
	s10 =	sld [smem:$0x3FAC];
	_ =	sdelay $0x3  }
0x37: {  	[smem:$0x3FAC] =	sst s10  }
0x38: {  	s10 =	sld [smem:$0x3FAD]  }
0x39: {  	_ = 	snop;
	(pc) =	sbr.ind lr, $3  }
0x3a: {  	_ = 	snop  }
0x3b: {  	_ = 	snop  }
0x3c: {  	p2 =	seq.s32 s10, $0x1;
	s10 =	sld [smem:$0x3FAC]  }
0x3d: {  	_ =	shalt  }
0x3e: {  	_ =	shalt  }
0x3f: {  	_ =	shalt  }
0x40: {  	_ =	shalt  }
0x41: {  	_ =	shalt  }
0x42: {  	_ =	shalt  }
0x43: {  	_ =	shalt  }
0x44: {  	_ =	shalt  }
0x45: {  	_ =	shalt  }
0x46: {  	_ =	shalt  }
0x47: {  	_ =	shalt  }
0x48: {  	_ =	shalt  }
0x49: {  	_ =	shalt  }
0x4a: {  	_ =	shalt  }
0x4b: {  	_ =	shalt  }
0x4c: {  	_ =	shalt  }
0x4d: {  	_ =	shalt  }
0x4e: {  	_ =	shalt  }
0x4f: {  	_ =	shalt  }
0x50: {  	_ =	shalt  }
0x51: {  	_ =	shalt  }
0x52: {  	_ =	shalt  }
0x53: {  	_ =	shalt  }
0x54: {  	_ =	shalt  }
0x55: {  	_ =	shalt  }
0x56: {  	_ =	shalt  }
0x57: {  	_ =	shalt  }
0x58: {  	_ =	shalt  }
0x59: {  	_ =	shalt  }
0x5a: {  	_ =	shalt  }
0x5b: {  	_ =	shalt  }
0x5c: {  	_ =	shalt  }
0x5d: {  	_ =	shalt  }
0x5e: {  	_ =	shalt  }
0x5f: {  	_ =	shalt  }
0x60: {  	_ =	shalt  }
0x61: {  	_ =	shalt  }
0x62: {  	_ =	shalt  }
0x63: {  	_ =	shalt  }
0x64: {  	_ =	shalt  }
0x65: {  	_ =	shalt  }
0x66: {  	_ =	shalt  }
0x67: {  	_ =	shalt  }
0x68: {  	_ =	shalt  }
0x69: {  	_ =	shalt  }
0x6a: {  	_ =	shalt  }
0x6b: {  	_ =	shalt  }
0x6c: {  	_ =	shalt  }
0x6d: {  	_ =	shalt  }
0x6e: {  	_ =	shalt  }
0x6f: {  	_ =	shalt  }
0x70: {  	_ =	shalt  }
0x71: {  	_ =	shalt  }
0x72: {  	_ =	shalt  }
0x73: {  	_ =	shalt  }
0x74: {  	_ =	shalt  }
0x75: {  	_ =	shalt  }
0x76: {  	_ =	shalt  }
0x77: {  	_ =	shalt  }
0x78: {  	_ =	shalt  }
0x79: {  	_ =	shalt  }
0x7a: {  	_ =	shalt  }
0x7b: {  	_ =	shalt  }
0x7c: {  	_ =	shalt  }
0x7d: {  	_ =	shalt  }
0x7e: {  	_ =	shalt  }
0x7f: {  	_ =	shalt  }
0x80: {  	_ =	shalt  }
0x81: {  	_ =	shalt  }
0x82: {  	_ =	shalt  }
0x83: {  	_ =	shalt  }
0x84: {  	_ =	shalt  }
0x85: {  	_ =	shalt  }
0x86: {  	_ =	shalt  }
0x87: {  	_ =	shalt  }
.Lfunc_end0:
.L_simem_size_0:
called_computation.3_lowered:
.L_overlay_start_0:
0x88: {  	s2 =	sld [smem:$0x3FD9]  }
0x89: {  	s3 =	sld [smem:$0x3FFE];
	_ =	sdelay $0x1  }
0x8a: {  	s1 =	srdreg.scid  }
0x8b: {  	s0 =	sand.u32 $0x1, s1  }
0x8c: {  	s16 =	sshll.u32 s0, $0xA;
	s2 =	sadd.s32 s3, s2  }
0x8d: {  	s2 =	sadd.s32 s2, s16  }
0x8e: {  	[smem:$0x3FB8] =	sst s2  }
0x8f: {  	_ = 	snop  }
0x90: {  	s17 =	sld [smem:$0x3FD0];
	_ =	sdelay $0x2  }
0x91: {  	s5 =	simm.s32 $0xB;
	s4 =	simm.s32 $0x10;
	s2 =	sld [smem:$0x3FC6]  }
0x92: {  	[smem:s4], [sflag:s5] =	dma.local [hbm:s17], $0x1  }
0x93: {  	_ =	swait.eq [sflag:s5], $0x1  }
0x94: {  	[sflag:s5] =	ssyncset.done $0x0  }
0x95: {  	s18 =	sld [smem:$0x11];
	[sflag:s5] =	ssyncadd.s32 $0xFFFFFFFF  }
0x96: {  	s19 =	sld [smem:$0x14];
	(tm) =	ssettm $0x1  }
0x97: {  	s20 =	sld [smem:$0x3FFB];
	_ =	sdelay $0x3  }
0x98: {  	_ =	strace s20  }
0x99: {  	s3 =	sld [smem:$0x3FFC];
	_ =	sdelay $0x3  }
0x9a: {  	_ =	strace s3  }
0x9b: {  	s3 =	sld [smem:$0x3FFD];
	_ =	sdelay $0x3  }
0x9c: {  	_ =	strace s3  }
0x9d: {  	_ =	strace $0x8FFFFFFF  }
0x9e: {  	s21 =	sld [smem:$0x3FDB];
	_ =	sdelay $0x1  }
0x9f: {  	s6 =	simm.s32 $_scs_section_size  }
0xa0: {  	s7 =	simm.s32 $_size__tile_overlayer_lowered;
	s8 =	simm.s32 $_tile_overlayer_lowered  }
0xa1: {  	s9 =	simm.s32 $0x1BFF;
	s22 =	sshll.u32 s8, $0x1;
	s6 =	sadd.s32 s6, s21  }
0xa2: {  	s23 =	simm.s32 $0x0;
	s7 =	sshll.u32 s7, $0x1;
	s8 =	sadd.s32 s22, s6  }
0xa3: {  	[timem:s23], [sflag:s9] =	dma.local [hbm:s8], s7  }
0xa4: {  	_ =	swait.ge [sflag:s9], s7  }
0xa5: {  	s7 =	ssub.s32 $0x0, s7;
	[sflag:s9] =	ssyncset.done $0x0  }
0xa6: {  	[sflag:s9] =	ssyncadd.s32 s7;
	_ =	sdelay $0x1  }
0xa7: {  	s24 =	simm.s32 $0x1B8B  }
0xa8: {  	_ =	swait.ge [sflag:s24], $0x1  }
0xa9: {  	[sflag:s24] =	ssyncset.done $0x0  }
0xaa: {  	[sflag:s24] =	ssyncadd.s32 $0xFFFFFFFF  }
0xab: {  	s7 =	sld [smem:$0x0]  }
0xac: {  	s8 =	sand.u32 $0xFFFFFFFE, s1  }
0xad: {  	p0 =	sne.s32 s1, s8  }
0xae: {  	s8 =	sshll.u32 @p0 s8, $0xE  }
0xaf: {  	s8 =	sadd.s32 @p0 $0x11B8D, s8;
	s9 =	sshll.u32 @p0 s7, $0x11  }
0xb0: {  	s8 =	sor.u32 @p0 s9, s8  }
0xb1: {  	[sflag:s8] =	ssyncadd.remote.s32 @p0 $0x1;
	_ =	sdelay $0x1  }
0xb2: {  	s8 =	simm.s32 @p0 $0x1B8D  }
0xb3: {  	_ =	swait.eq @p0 [sflag:s8], $0x1  }
0xb4: {  	[sflag:s8] =	ssyncadd.s32 @p0 $0xFFFFFFFF  }
0xb5: {  	s9 =	sshll.u32 @!p0 s1, $0xE  }
0xb6: {  	s9 =	sor.u32 @!p0 $0x4000, s9;
	s8 =	simm.s32 @!p0 $0x1B8D  }
0xb7: {  	s7 =	sshll.u32 @!p0 s7, $0x11;
	s9 =	sadd.s32 @!p0 $0x11B8D, s9;
	_ =	swait.eq @!p0 [sflag:s8], $0x1  }
0xb8: {  	s7 =	sor.u32 @!p0 s7, s9;
	[sflag:s8] =	ssyncadd.s32 @!p0 $0xFFFFFFFF  }
0xb9: {  	s25 =	simm.s32 $0x1B8E;
	[sflag:s7] =	ssyncadd.remote.s32 @!p0 $0x1  }
0xba: {  	s26 =	simm.s32 $execute0_lowered;
	[smem:$0x3FD2] =	sst s25  }
0xbb: {  	s7 =	sshll.u32 s26, $0x1;
	_ =	strace $0x8000004F;
	[dreg:$0x1] =	wrdreg $0xFFFFFFFF  }
0xbc: {  	s28 =	simm.s32 $_size_execute0_lowered;
	s6 =	sadd.s32 s6, s7;
	[dreg:$0x0] =	wrdreg $0x0  }
0xbd: {  	s7 =	sshll.u32 s28, $0x1;
	[dreg:$0x2] =	wrdreg s6  }
0xbe: {  	[dreg:$0x3] =	wrdreg s7  }
0xbf: {  	[dreg:$0x4] =	wrdreg $0xC0  }
0xc0: {  	_ =	task [dreg:s23], $0x5FFFF  }
0xc1: {  	[dreg:$0x1] =	wrdreg $0xFFFFFFFF  }
0xc2: {  	[dreg:$0x0] =	wrdreg $0x60  }
0xc3: {  	[dreg:$0x2] =	wrdreg s2  }
0xc4: {  	[dreg:$0x3] =	wrdreg s19  }
0xc5: {  	[dreg:$0x4] =	wrdreg s18  }
0xc6: {  	[dreg:$0x5] =	wrdreg $0xA  }
0xc7: {  	_ =	task.clear_ibuf [dreg:s23], $0x6FFFF;
	_ =	strace $0x9000004F  }
0xc8: {  	s29 =	simm.s32 $0xA;
	_ =	strace $0x80000051  }
0xc9: {  	_ =	swait.ge [sflag:s29], $0x1  }
0xca: {  	[sflag:s29] =	ssyncadd.s32 $0xFFFFFFFF  }
0xcb: {  	_ =	strace $0x90000051  }
0xcc: {  	_ =	sfence  }
0xcd: {  	s30 =	sld [smem:$0x0];
	_ =	sdelay $0x2  }
0xce: {  	s31 =	sshll.u32 s1, $0xD;
	s1 =	sshrl.u32 s1, $0x2  }
0xcf: {  	s4 =	sand.u32 $0x4000, s31;
	s1 =	sadd.s32 s1, s30  }
0xd0: {  	s0 =	sor.u32 s4, s0;
	s1 =	sshll.u32 s1, $0x11  }
0xd1: {  	s0 =	sor.u32 s1, s0  }
0xd2: {  	s0 =	sadd.s32 $0x8F2B, s0  }
0xd3: {  	[sflag:s0] =	ssyncadd.remote.s32 $0x1  }
0xd4: {  	_ =	sfence.sel $0xFFFF  }
0xd5: {  	[dreg:$0x0] =	wrdreg $0xFFFFFFFF;
	(pc) =	sbr.abs _section_cstart, $3  }
0xd6: {  	[dreg:$0x1] =	wrdreg $0xFFFFFFFF  }
0xd7: {  	_ =	task.clear_ibuf [dreg:s23], $0x2FFFF;
	_ =	strace $0x9FFFFFFF  }
0xd8: {  	(tm) =	ssettm $0x7FFFFFFF  }
0xd9: {  	_ =	shalt  }
tec
execute0_lowered:
.L_overlay_start_1:
0x0: {  	(tag) =	ssettag $0x1  }
0x1: {  	s1 =	srdreg.scid;
	s2 =	rddreg [dreg:$0x0]  }
0x2: {  	s0 =	stileid.u32;
	s3 =	rddreg [dreg:$0x1]  }
0x3: {  	s4 =	rddreg [dreg:$0x2];
	s6 =	simm.s32 $0x1;
	s1 =	sshll.u32 s1, $0x6  }
0x4: {  	s9 =	simm.s32 $0x1;
	s5 =	sshll.u32 s0, $0x7;
	s1 =	sand.u32 $0x40, s1  }
0x5: {  	s10 =	simm.s32 $0x3;
	s13 =	simm.s32 $0x0;
	s5 =	sor.u32 s5, s1  }
0x6: {  	s12 =	simm.s32 $0x0;
	s1 =	rddreg [dreg:$0x3];
	s8 =	ssub.s32 $0x980, s5  }
.Ltmp0:
0x7: {  	_ =	strace $0x80000050;
	s7 =	sand.u32 $0x7C0, s8;
	(pc) =	sbr.rel .LBB2_1-.Ltmp0, $4  }
0x8: {  	[sflag:s6] =	ssyncpa.u1 $0x0;
	s11 =	smov.u32 s5;
	p0 =	sne.s32 s7, $0x0  }
0x9: {  	s8 =	sshrl.u32 s8, $0xB;
	s7 =	simm.s32 $0x2;
	s9 =	simm.s32 @!p0 $0x0  }
0xa: {  	[sflag:s7] =	ssyncpa.u1 $0x0;
	p0 =	por $0x0, $0x0;
	s8 =	sadd.s32 s9, s8  }
0xb: {  	vm0 =	vmmov $0xffff;
	[sflag:s10] =	ssyncpa.u1 $0x0;
	s10 =	simm.s32 $0x0;
	s9 =	sadd.s32 $0x1, s8  }
.LBB2_4:
0xc: {  	vm1 =	veq.s32 v0, $0x80000000;
	v63 =	vand.u32 $0x1F, v0;
	v2 =	vand.u32 $0xFF, v2  }
0xd: {  	v0 =	vsel vm1, $0xFFFFFFFF, v63;
	v2 =	vsel vm1, $0xFFFFFFFF, v2  }
0xe: {  	v3 =	vshll.u32 v0, $0x8;
	v4 =	vshll.u32 v2, $0x3  }
0xf: {  	v0 =	vshll.u32 v0, $0x7;
	v3 =	vand.u32 $0xFFFFF800, v3;
	v4 =	vand.u32 $0xFFFFFC00, v4  }
0x10: {  	v0 =	vand.u32 $0x380, v0;
	v3 =	vadd.s32 v3, v4  }
0x11: {  	v2 =	vand.u32 $0x7F, v2;
	v0 =	vor.u32 v0, v3  }
0x12: {  	v0 =	vor.u32 v2, v0;
	_ =	sdelay $0x1  }
0x13: {  	(ifvalue) =	ssetifvalue $0x7FFFFFFF;
	s14 =	sadd.s32 $0x10, s14  }
0x14: {  	[tilespmem:s14], [sflag:$0x1] =	stream.indirect_vreg.gather [hbm4b:s2+s10], $0x1, v1, vm0, $0x4038;
	[tilespmem:$0x100] =	vst v63  }
0x15: {  	(ifvalue) =	ssetifvalue $0x7FFFFFFF;
	s14 =	sadd.s32 $0x10, s14  }
0x16: {  	[tilespmem:s14], [sflag:$0x1] =	stream.indirect_vreg.gather [hbm4b:s2+s10], $0x1, v0, vm0, $0x4038;
	[tilespmem:$0x100] =	vst v63  }
0x17: {  	_ =	swait.ge [sflag:s6], $0x40  }
0x18: {  	s30 =	sshrl.u32 s13, $0x3;
	[sflag:s6] =	ssyncset.done $0x0  }
0x19: {  	s31 =	sand.u32 $0x7, s13;
	s14 =	sadd.s32 s4, s30;
	[sflag:s6] =	ssyncadd.s32 $0xFFFFFFC0  }
0x1a: {  	[hbm4b:s14+s31] =	stream.linear.scatter [tilespmem:s15], [sflag:$0x3], $0x40, $0x38;
	[tilespmem:$0x100] =	vst v63  }
.LBB2_5:
0x1b: {  	s15 =	sadd.s32 $0x800, s11  }
0x1c: {  	p2 =	sgt.s32 s15, $0x97F  }
0x1d: {  	s15 =	smov.u32 @p2 s5;
	p2 =	sne.s32 s12, s9  }
.Ltmp1:
0x1e: {  	p1 =	slt.u32 s12, $0x2;
	(pc) =	sbr.rel @!p2 .LBB2_6-.Ltmp1, $4  }
0x1f: {  	s14 =	simm.s32 @!p1 $0x3  }
0x20: {  	s16 =	sadd.s32 $0x1, s12;
	_ =	swait.ge @!p1 [sflag:s14], $0x40  }
0x21: {  	s13 =	smov.u32 s11;
	p0 =	por !p0, !p0;
	[sflag:s14] =	ssyncset.done @!p1 $0x0  }
0x22: {  	s12 =	smov.u32 s16;
	s11 =	smov.u32 s15;
	[sflag:s14] =	ssyncadd.s32 @!p1 $0xFFFFFFC0  }
.LBB2_1:
0x23: {  	p1 =	sge.u32 s12, s8  }
0x24: {  	s14 =	sxor.u32 @!p1 $0xFFFFFFFF, s12  }
0x25: {  	s31 =	sadd.s32 $0xFFFFFFFF, s12;
	s15 =	sshrl.u32 @!p1 s11, $0x3;
	s14 =	sshll.u32 @!p1 s14, $0x6  }
0x26: {  	s16 =	sand.u32 @!p1 $0x7, s11;
	s15 =	sadd.s32 @!p1 s3, s15;
	s14 =	sand.u32 @!p1 $0x40, s14  }
0x27: {  	[tilespmem:s14], [sflag:$0x2] =	stream.linear.gather @!p1 [hbm4b:s15+s16], $0x40, $0x38;
	[tilespmem:$0x100] =	vst v63  }
0x28: {  	p1 =	sge.u32 s31, s8  }
.Ltmp2:
0x29: {  	_ = 	snop;
	(pc) =	sbr.rel @p1 .LBB2_5-.Ltmp2, $1  }
0x2a: {  	_ =	sdelay $0x3  }
0x2b: {  	s14 =	simm.s32 $0x1  }
0x2c: {  	_ =	swait.ge [sflag:s7], $0x40;
	s14 =	simm.s32 @!p0 $0x0  }
0x2d: {  	[sflag:s7] =	ssyncset.done $0x0;
	s14 =	sshll.u32 s14, $0x6  }
0x2e: {  	[sflag:s7] =	ssyncadd.s32 $0xFFFFFFC0;
	(ifvalue) =	ssetifvalue $0x7FFFFFFF;
	v0 =	vld.msk [tilespmem:s14+$0x0 ss:$0x1], $0xffff;
	_ =	sdelay $0x3  }
0x2f: {  	s15 =	sadd.s32 $0x10, s14  }
0x30: {  	v2 =	vld.msk [tilespmem:s15+$0x0 ss:$0x1], $0xffff;
	v1 =	vshrl.u32 v0, $0x5  }
0x31: {  	vm1 =	veq.s32 v0, $0x80000000;
	v0 =	vand.u32 $0x1F, v0;
	v1 =	vand.u32 $0xFF, v1  }
0x32: {  	v0 =	vsel vm1, $0xFFFFFFFF, v0;
	v1 =	vsel vm1, $0xFFFFFFFF, v1  }
0x33: {  	v3 =	vshll.u32 v0, $0x8;
	v4 =	vshll.u32 v1, $0x3  }
0x34: {  	v0 =	vshll.u32 v0, $0x7;
	v3 =	vand.u32 $0xFFFFF800, v3;
	v4 =	vand.u32 $0xFFFFFC00, v4  }
0x35: {  	vm1 =	veq.s32 v2, $0x80000000;
	v0 =	vand.u32 $0x380, v0;
	v3 =	vadd.s32 v3, v4  }
0x36: {  	v1 =	vand.u32 $0x7F, v1;
	v0 =	vor.u32 v0, v3;
	v3 =	vshrl.u32 v2, $0x5  }
0x37: {  	s17 =	sadd.s32 $0x10, s15;
	v2 =	vand.u32 $0x1F, v2;
	v1 =	vor.u32 v1, v0;
	v3 =	vand.u32 $0xFF, v3  }
0x38: {  	v0 =	vld.msk [tilespmem:s17+$0x0 ss:$0x1], $0xffff;
	v2 =	vsel vm1, $0xFFFFFFFF, v2;
	v3 =	vsel vm1, $0xFFFFFFFF, v3  }
0x39: {  	v63 =	vshll.u32 v2, $0x8;
	v5 =	vshll.u32 v3, $0x3  }
0x3a: {  	s31 =	sshll.u32 s12, $0x6;
	v2 =	vshll.u32 v2, $0x7;
	v4 =	vand.u32 $0xFFFFF800, v63;
	v5 =	vand.u32 $0xFFFFFC00, v5  }
0x3b: {  	s14 =	sor.u32 $0x80, s14;
	s15 =	sand.u32 $0x40, s31;
	(ifvalue) =	ssetifvalue $0x7FFFFFFF;
	v2 =	vand.u32 $0x380, v2;
	v4 =	vadd.s32 v4, v5  }
0x3c: {  	[tilespmem:s14], [sflag:$0x1] =	stream.indirect_vreg.gather [hbm4b:s2+s10], $0x1, v1, vm0, $0x4038;
	v1 =	vand.u32 $0x7F, v3;
	v3 =	vor.u32 v2, v4;
	[tilespmem:$0x100] =	vst v63  }
0x3d: {  	s16 =	simm.s32 $0x20;
	s15 =	sor.u32 $0x80, s15;
	s17 =	sadd.s32 $0x10, s17;
	v2 =	vshrl.u32 v0, $0x5;
	v1 =	vor.u32 v1, v3  }
.LBB2_3:
0x3e: {  	s16 =	sadd.s32 $0x10, s16;
	vm1 =	veq.s32 v0, $0x80000000;
	v3 =	vand.u32 $0x1F, v0;
	v0 =	vld.msk [tilespmem:s17+$0x0 ss:$0x1], $0xffff;
	v2 =	vand.u32 $0xFF, v2  }
0x3f: {  	p1 =	slt.u32 s16, $0x30;
	v3 =	vsel vm1, $0xFFFFFFFF, v3;
	v2 =	vsel vm1, $0xFFFFFFFF, v2  }
.Ltmp3:
0x40: {  	v4 =	vshll.u32 v3, $0x8;
	v5 =	vshll.u32 v2, $0x3;
	(pc) =	sbr.rel @p1 .LBB2_3-.Ltmp3, $4  }
0x41: {  	s14 =	sadd.s32 $0x10, s14;
	v3 =	vshll.u32 v3, $0x7;
	v4 =	vand.u32 $0xFFFFF800, v4;
	v5 =	vand.u32 $0xFFFFFC00, v5;
	(ifvalue) =	ssetifvalue $0x7FFFFFFF  }
0x42: {  	v3 =	vand.u32 $0x380, v3;
	v4 =	vadd.s32 v4, v5;
	[tilespmem:s14], [sflag:$0x1] =	stream.indirect_vreg.gather [hbm4b:s2+s10], $0x1, v1, vm0, $0x4038;
	[tilespmem:$0x100] =	vst v63  }
0x43: {  	v1 =	vand.u32 $0x7F, v2;
	v3 =	vor.u32 v3, v4  }
0x44: {  	s17 =	sadd.s32 $0x10, s17;
	v2 =	vshrl.u32 v0, $0x5;
	v1 =	vor.u32 v1, v3  }
.Ltmp4:
0x45: {  	_ = 	snop;
	(pc) =	sbr.rel .LBB2_4-.Ltmp4, $1  }
0x46: {  	_ =	sdelay $0x3  }
.LBB2_6:
0x47: {  	_ =	sfence.sel $0x180000  }
0x48: {  	s2 =	simm.s32 $0x2;
	[bflag:$0x0] =	sbarrier.arrive $0xFFFF  }
0x49: {  	s30 =	simm.s32 $0x3;
	[sflag:s2] =	ssyncpa.u1 $0x1  }
0x4a: {  	s31 =	simm.s32 $0x1;
	[sflag:s30] =	ssyncpa.u1 $0x1  }
0x4b: {  	[sflag:s31] =	ssyncpa.u1 $0x1  }
0x4c: {  	p0 =	sne.s32 s0, $0x0;
	_ =	strace $0x90000050  }
0x4d: {  	s0 =	sadd.s32 @!p0 $0x100000, s1;
	[bflag:$0x2] =	sbarrier.arrive $0xFFFF  }
0x4e: {  	[sflag:s0] =	ssyncadd.tile.s32 @!p0 $0x1;
	_ =	shalt  }
.Lfunc_end2:
_tile_overlayer_lowered:
.L_overlay_start_2:
0x4f: {  	(tag) =	ssettag $0x2  }
0x50: {  	s0 =	rddreg [dreg:$0x0];
	s2 =	stileid.u32  }
0x51: {  	s1 =	rddreg [dreg:$0x1];
	p0 =	sne.s32 s2, $0x0  }
0x52: {  	s3 =	rddreg [dreg:$0x2];
	[bflag:$0x3] =	sbarrier.arrive $0xFFFF;
	s2 =	simm.s32 @!p0 $0x1C01  }
0x53: {  	[timem:s3], [sflag:s2] =	dma.local @!p0 [hbm:s0], s1  }
0x54: {  	s0 =	simm.s32 @!p0 $0x1  }
0x55: {  	_ =	swait.ge @!p0 [sflag:s0], s1  }
0x56: {  	s1 =	ssub.s32 @!p0 $0x0, s1;
	[sflag:s0] =	ssyncset.done @!p0 $0x0  }
0x57: {  	[sflag:s0] =	ssyncadd.s32 @!p0 s1  }
0x58: {  	[bflag:$0x3] =	sbarrier.arrive $0xFFFF  }
0x59: {  	_ =	shalt  }

// kernel: gather_offload_async_start
scs
__scs_entry_jumppad:
0x0: {  	(pc) =	sbr.rel $0x88, $3  }
0x1: {  	(tag) =	ssettag $0x0;
	lr =	simm.s32 $0x1  }
0x2: {  	[smem:$0x3F91] =	sst lr;
	_ =	strace $0xD0000000  }
0x3: {  	_ = 	snop  }
0x4: {  	_ = 	snop  }
0x5: {  	_ = 	snop  }
0x6: {  	_ = 	snop  }
0x7: {  	_ = 	snop  }
__scs_overlays_trampoline_lowered:
0x8: {  	[smem:$0x3FA0] =	sst s0  }
0x9: {  	[smem:$0x3FA1] =	sst s1  }
0xa: {  	[smem:$0x3FA2] =	sst s2  }
0xb: {  	[smem:$0x3FA3] =	sst s3  }
0xc: {  	[smem:$0x3FA4] =	sst s4  }
0xd: {  	[smem:$0x3FA5] =	sst s5  }
0xe: {  	[smem:$0x3FA6] =	sst s6  }
0xf: {  	[smem:$0x3FA7] =	sst s7  }
0x10: {  	[smem:$0x3FA8] =	sst s8  }
0x11: {  	[smem:$0x3FA9] =	sst s9;
	s0 =	simm.s32 @!p0 $0x0  }
0x12: {  	s1 =	sld [smem:$0x3F8F];
	s0 =	simm.s32 @p0 $0x1  }
0x13: {  	[smem:$0x3FAA] =	sst s0;
	s0 =	simm.s32 @!p1 $0x0  }
0x14: {  	s2 =	sld [smem:$0x3F8E];
	s0 =	simm.s32 @p1 $0x1  }
0x15: {  	[smem:$0x3FAB] =	sst s0;
	s0 =	simm.s32 @!p2 $0x0  }
0x16: {  	s3 =	sld [smem:$0x3FDB];
	s0 =	simm.s32 @p2 $0x1  }
0x17: {  	s4 =	simm.s32 $0x1BF5;
	[smem:$0x3FAD] =	sst s0  }
0x18: {  	s0 =	sld [smem:$0x3F90];
	_ =	swait.ge [sflag:s4], $0x0  }
0x19: {  	s7 =	sld [smem:$0x3F91]  }
0x1a: {  	s8 =	sadd.s32 $0xFFFFE003, lr  }
0x1b: {  	s9 =	sadd.s32 $0xFFFFFEF7, lr;
	s5 =	simm.s32 $0xFFFFFFFF;
	p2 =	slt.u32 s8, $0xFFFFF086  }
0x1c: {  	p1 =	slt.u32 s9, $0xF7A;
	s5 =	simm.s32 @!p2 $0x0  }
0x1d: {  	s5 =	simm.s32 @p1 $0x1;
	p0 =	seq.s32 s7, s2  }
0x1e: {  	s7 =	smul.u32 @!p0 $0xF7A, s2;
	p2 =	seq.s32 @!p0 s5, $0x0  }
0x1f: {  	s9 =	smul.u32 $0xF7A, s1;
	s8 =	simm.s32 @!p0 $0x1BF5;
	p2 =	por !p2, p0  }
0x20: {  	[sflag:s8] =	ssyncset.s32 @!p0 $0xFFFFF086;
	s6 =	sadd.s32 @!p0 s3, s7;
	s7 =	simm.s32 @!p0 $0x108  }
0x21: {  	s3 =	sadd.s32 s3, s9;
	s6 =	sadd.s32 @!p0 $0x88, s6;
	s7 =	simm.s32 @p2 $0x1082  }
0x22: {  	[simem:s7], [sflag:s8] =	dma.local @!p0 [hbm:s6], $0xF7A  }
0x23: {  	s9 =	sor.u32 $0xD0000000, s2;
	s6 =	simm.s32 $0x108;
	_ =	swait.ge @!p0 [sflag:s8], $0x0  }
0x24: {  	s3 =	sadd.s32 $0x88, s3;
	s6 =	simm.s32 @!p1 $0x1082;
	[sflag:s4] =	ssyncset.s32 $0xFFFFF086  }
0x25: {  	[simem:s6], [sflag:s4] =	dma.local [hbm:s3], $0xF7A  }
0x26: {  	[smem:$0x3F91] =	sst s1;
	(tag) =	ssettag s2;
	_ =	strace s9  }
0x27: {  	s1 =	sld [smem:$0x3FA1]  }
0x28: {  	s2 =	sld [smem:$0x3FA2]  }
0x29: {  	s4 =	sld [smem:$0x3FA4]  }
0x2a: {  	p0 =	seq.s32 s5, $0x0;
	s5 =	sld [smem:$0x3FA5]  }
0x2b: {  	s6 =	sld [smem:$0x3FA6]  }
0x2c: {  	s7 =	sld [smem:$0x3FA7]  }
0x2d: {  	s3 =	simm.s32 $0x108;
	s8 =	sld [smem:$0x3FA8]  }
0x2e: {  	s3 =	simm.s32 @!p0 $0x1082;
	s9 =	sld [smem:$0x3FA9]  }
0x2f: {  	lr =	sadd.s32 s0, s3;
	s0 =	sld [smem:$0x3FA0]  }
0x30: {  	s3 =	sld [smem:$0x3FA3]  }
0x31: {  	[smem:$0x3FAC] =	sst s10  }
0x32: {  	s10 =	sld [smem:$0x3FAA];
	_ =	sdelay $0x3  }
0x33: {  	p0 =	seq.s32 s10, $0x1;
	s10 =	sld [smem:$0x3FAC];
	_ =	sdelay $0x3  }
0x34: {  	[smem:$0x3FAC] =	sst s10  }
0x35: {  	s10 =	sld [smem:$0x3FAB];
	_ =	sdelay $0x3  }
0x36: {  	p1 =	seq.s32 s10, $0x1;
	s10 =	sld [smem:$0x3FAC];
	_ =	sdelay $0x3  }
0x37: {  	[smem:$0x3FAC] =	sst s10  }
0x38: {  	s10 =	sld [smem:$0x3FAD]  }
0x39: {  	_ = 	snop;
	(pc) =	sbr.ind lr, $3  }
0x3a: {  	_ = 	snop  }
0x3b: {  	_ = 	snop  }
0x3c: {  	p2 =	seq.s32 s10, $0x1;
	s10 =	sld [smem:$0x3FAC]  }
0x3d: {  	_ =	shalt  }
0x3e: {  	_ =	shalt  }
0x3f: {  	_ =	shalt  }
0x40: {  	_ =	shalt  }
0x41: {  	_ =	shalt  }
0x42: {  	_ =	shalt  }
0x43: {  	_ =	shalt  }
0x44: {  	_ =	shalt  }
0x45: {  	_ =	shalt  }
0x46: {  	_ =	shalt  }
0x47: {  	_ =	shalt  }
0x48: {  	_ =	shalt  }
0x49: {  	_ =	shalt  }
0x4a: {  	_ =	shalt  }
0x4b: {  	_ =	shalt  }
0x4c: {  	_ =	shalt  }
0x4d: {  	_ =	shalt  }
0x4e: {  	_ =	shalt  }
0x4f: {  	_ =	shalt  }
0x50: {  	_ =	shalt  }
0x51: {  	_ =	shalt  }
0x52: {  	_ =	shalt  }
0x53: {  	_ =	shalt  }
0x54: {  	_ =	shalt  }
0x55: {  	_ =	shalt  }
0x56: {  	_ =	shalt  }
0x57: {  	_ =	shalt  }
0x58: {  	_ =	shalt  }
0x59: {  	_ =	shalt  }
0x5a: {  	_ =	shalt  }
0x5b: {  	_ =	shalt  }
0x5c: {  	_ =	shalt  }
0x5d: {  	_ =	shalt  }
0x5e: {  	_ =	shalt  }
0x5f: {  	_ =	shalt  }
0x60: {  	_ =	shalt  }
0x61: {  	_ =	shalt  }
0x62: {  	_ =	shalt  }
0x63: {  	_ =	shalt  }
0x64: {  	_ =	shalt  }
0x65: {  	_ =	shalt  }
0x66: {  	_ =	shalt  }
0x67: {  	_ =	shalt  }
0x68: {  	_ =	shalt  }
0x69: {  	_ =	shalt  }
0x6a: {  	_ =	shalt  }
0x6b: {  	_ =	shalt  }
0x6c: {  	_ =	shalt  }
0x6d: {  	_ =	shalt  }
0x6e: {  	_ =	shalt  }
0x6f: {  	_ =	shalt  }
0x70: {  	_ =	shalt  }
0x71: {  	_ =	shalt  }
0x72: {  	_ =	shalt  }
0x73: {  	_ =	shalt  }
0x74: {  	_ =	shalt  }
0x75: {  	_ =	shalt  }
0x76: {  	_ =	shalt  }
0x77: {  	_ =	shalt  }
0x78: {  	_ =	shalt  }
0x79: {  	_ =	shalt  }
0x7a: {  	_ =	shalt  }
0x7b: {  	_ =	shalt  }
0x7c: {  	_ =	shalt  }
0x7d: {  	_ =	shalt  }
0x7e: {  	_ =	shalt  }
0x7f: {  	_ =	shalt  }
0x80: {  	_ =	shalt  }
0x81: {  	_ =	shalt  }
0x82: {  	_ =	shalt  }
0x83: {  	_ =	shalt  }
0x84: {  	_ =	shalt  }
0x85: {  	_ =	shalt  }
0x86: {  	_ =	shalt  }
0x87: {  	_ =	shalt  }
.Lfunc_end0:
.L_simem_size_0:
called_computation_lowered:
.L_overlay_start_0:
0x88: {  	s2 =	sld [smem:$0x3FD9]  }
0x89: {  	s3 =	sld [smem:$0x3FFE];
	_ =	sdelay $0x1  }
0x8a: {  	s1 =	srdreg.scid  }
0x8b: {  	s0 =	sand.u32 $0x1, s1  }
0x8c: {  	s14 =	sshll.u32 s0, $0xA;
	s2 =	sadd.s32 s3, s2  }
0x8d: {  	s2 =	sadd.s32 s2, s14  }
0x8e: {  	[smem:$0x3FB8] =	sst s2  }
0x8f: {  	_ = 	snop  }
0x90: {  	s2 =	sld [smem:$0x3FD0];
	_ =	sdelay $0x2  }
0x91: {  	s4 =	simm.s32 $0xB;
	s5 =	simm.s32 $0x10;
	s15 =	sld [smem:$0x3FC7]  }
0x92: {  	[smem:s5], [sflag:s4] =	dma.local [hbm:s2], $0x1  }
0x93: {  	_ =	swait.eq [sflag:s4], $0x1  }
0x94: {  	[sflag:s4] =	ssyncset.done $0x0  }
0x95: {  	[sflag:s4] =	ssyncadd.s32 $0xFFFFFFFF  }
0x96: {  	s16 =	sld [smem:$0x13];
	(tm) =	ssettm $0x1  }
0x97: {  	s17 =	sld [smem:$0x3FFB];
	_ =	sdelay $0x3  }
0x98: {  	_ =	strace s17  }
0x99: {  	s4 =	sld [smem:$0x3FFC];
	_ =	sdelay $0x3  }
0x9a: {  	_ =	strace s4  }
0x9b: {  	s4 =	sld [smem:$0x3FFD];
	_ =	sdelay $0x3  }
0x9c: {  	_ =	strace s4  }
0x9d: {  	_ =	strace $0x8FFFFFFF  }
0x9e: {  	s18 =	sld [smem:$0x3FDB];
	_ =	sdelay $0x1  }
0x9f: {  	s19 =	simm.s32 $_scs_section_size  }
0xa0: {  	s6 =	simm.s32 $_size__tile_overlayer_lowered;
	s7 =	simm.s32 $_tile_overlayer_lowered  }
0xa1: {  	s22 =	simm.s32 $0x1BFF;
	s21 =	sshll.u32 s7, $0x1;
	s4 =	sadd.s32 s19, s18  }
0xa2: {  	s8 =	simm.s32 $0x0;
	s20 =	sshll.u32 s6, $0x1;
	s6 =	sadd.s32 s21, s4  }
0xa3: {  	[timem:s8], [sflag:s22] =	dma.local [hbm:s6], s20  }
0xa4: {  	_ =	swait.ge [sflag:s22], s20  }
0xa5: {  	s5 =	ssub.s32 $0x0, s20;
	[sflag:s22] =	ssyncset.done $0x0  }
0xa6: {  	[sflag:s22] =	ssyncadd.s32 s5;
	_ =	sdelay $0x1  }
0xa7: {  	s23 =	simm.s32 $0x1B8B  }
0xa8: {  	_ =	swait.ge [sflag:s23], $0x1  }
0xa9: {  	[sflag:s23] =	ssyncset.done $0x0  }
0xaa: {  	s25 =	simm.s32 $0x1B8E;
	s24 =	sld [smem:$0x3FFE];
	[sflag:s23] =	ssyncadd.s32 $0xFFFFFFFF  }
0xab: {  	s26 =	simm.s32 $execute0_lowered;
	[smem:$0x3FD2] =	sst s25  }
0xac: {  	s6 =	sshll.u32 s26, $0x1;
	_ =	strace $0x80000046;
	[dreg:$0x1] =	wrdreg $0xFFFFFFFF  }
0xad: {  	s28 =	simm.s32 $_size_execute0_lowered;
	s4 =	sadd.s32 s4, s6;
	[dreg:$0x0] =	wrdreg $0x0  }
0xae: {  	s6 =	sshll.u32 s28, $0x1;
	[dreg:$0x2] =	wrdreg s4  }
0xaf: {  	[dreg:$0x3] =	wrdreg s6  }
0xb0: {  	[dreg:$0x4] =	wrdreg $0xC0  }
0xb1: {  	_ =	task [dreg:s8], $0x5FFFF  }
0xb2: {  	[dreg:$0x1] =	wrdreg $0xFFFFFFFF  }
0xb3: {  	[dreg:$0x0] =	wrdreg $0x60  }
0xb4: {  	[dreg:$0x2] =	wrdreg s15  }
0xb5: {  	[dreg:$0x3] =	wrdreg s16  }
0xb6: {  	[dreg:$0x4] =	wrdreg s24  }
0xb7: {  	[dreg:$0x5] =	wrdreg $0x9  }
0xb8: {  	_ =	task.clear_ibuf [dreg:s8], $0x6FFFF;
	_ =	strace $0x90000046  }
0xb9: {  	s29 =	simm.s32 $0x9;
	_ =	strace $0x80000048  }
0xba: {  	_ =	swait.ge [sflag:s29], $0x1  }
0xbb: {  	[sflag:s29] =	ssyncadd.s32 $0xFFFFFFFF  }
0xbc: {  	_ =	strace $0x90000048  }
0xbd: {  	_ =	sfence  }
0xbe: {  	s30 =	sld [smem:$0x0];
	_ =	sdelay $0x2  }
0xbf: {  	s31 =	sshll.u32 s1, $0xD;
	s1 =	sshrl.u32 s1, $0x2  }
0xc0: {  	s3 =	sand.u32 $0x4000, s31;
	s1 =	sadd.s32 s1, s30  }
0xc1: {  	s0 =	sor.u32 s3, s0;
	s1 =	sshll.u32 s1, $0x11  }
0xc2: {  	s0 =	sor.u32 s1, s0  }
0xc3: {  	s0 =	sadd.s32 $0x8F2B, s0  }
0xc4: {  	[sflag:s0] =	ssyncadd.remote.s32 $0x1  }
0xc5: {  	_ =	sfence.sel $0xFFFF  }
0xc6: {  	[dreg:$0x0] =	wrdreg $0xFFFFFFFF;
	(pc) =	sbr.abs _section_cstart, $3  }
0xc7: {  	[dreg:$0x1] =	wrdreg $0xFFFFFFFF  }
0xc8: {  	_ =	task.clear_ibuf [dreg:s8], $0x2FFFF;
	_ =	strace $0x9FFFFFFF  }
0xc9: {  	(tm) =	ssettm $0x7FFFFFFF  }
tec
execute0_lowered:
.L_overlay_start_1:
0x0: {  	(tag) =	ssettag $0x1  }
0x1: {  	s2 =	rddreg [dreg:$0x0]  }
0x2: {  	s3 =	rddreg [dreg:$0x1];
	s0 =	stileid.u32  }
0x3: {  	s1 =	srdreg.scid;
	s4 =	rddreg [dreg:$0x2];
	s9 =	simm.s32 $0x1  }
0x4: {  	s10 =	simm.s32 $0x3;
	s5 =	sand.u32 $0x1, s1;
	s6 =	sshll.u32 s0, $0x1  }
0x5: {  	s13 =	simm.s32 $0x0;
	s12 =	simm.s32 $0x0;
	s7 =	sor.u32 s6, s5  }
0x6: {  	s1 =	rddreg [dreg:$0x3];
	_ =	strace $0x80000047;
	s5 =	smul.u32 $0xA0, s7  }
0x7: {  	s6 =	simm.s32 $0x1;
	p0 =	slt.u32 s7, $0x5;
	s7 =	simm.s32 $0x1400  }
.Ltmp0:
0x8: {  	s7 =	simm.s32 @!p0 $0x0;
	s8 =	ssub.s32 $0x1680, s5;
	(pc) =	sbr.rel .LBB2_1-.Ltmp0, $4  }
0x9: {  	s9 =	simm.s32 @!p0 $0x0;
	p0 =	sne.s32 s8, s7;
	s8 =	simm.s32 $0x1  }
0xa: {  	[sflag:s6] =	ssyncpa.u1 $0x0;
	s7 =	simm.s32 $0x2;
	s8 =	simm.s32 @!p0 $0x0  }
0xb: {  	s11 =	smov.u32 s5;
	[sflag:s7] =	ssyncpa.u1 $0x0;
	s8 =	sadd.s32 s9, s8  }
0xc: {  	vm0 =	vmmov $0xffff;
	[sflag:s10] =	ssyncpa.u1 $0x0;
	s10 =	simm.s32 $0x0;
	s9 =	sadd.s32 $0x1, s8  }
.LBB2_4:
0xd: {  	vm1 =	veq.s32 v0, $0x80000000;
	v63 =	vand.u32 $0x1F, v0;
	v2 =	vand.u32 $0xFF, v2  }
0xe: {  	v0 =	vsel vm1, $0xFFFFFFFF, v63;
	v2 =	vsel vm1, $0xFFFFFFFF, v2  }
0xf: {  	v3 =	vshll.u32 v0, $0x8;
	v4 =	vshll.u32 v2, $0x3  }
0x10: {  	v0 =	vshll.u32 v0, $0x7;
	v3 =	vand.u32 $0xFFFFF800, v3;
	v4 =	vand.u32 $0xFFFFFC00, v4  }
0x11: {  	v0 =	vand.u32 $0x380, v0;
	v3 =	vadd.s32 v3, v4  }
0x12: {  	v2 =	vand.u32 $0x7F, v2;
	v0 =	vor.u32 v0, v3  }
0x13: {  	v0 =	vor.u32 v2, v0;
	_ =	sdelay $0x1  }
0x14: {  	(ifvalue) =	ssetifvalue $0x7FFFFFFF;
	s15 =	sadd.s32 $0x10, s15  }
0x15: {  	[tilespmem:s15], [sflag:$0x1] =	stream.indirect_vreg.gather [hbm4b:s2+s10], $0x1, v1, vm0, $0x4038;
	[tilespmem:$0x280] =	vst v63  }
0x16: {  	(ifvalue) =	ssetifvalue $0x7FFFFFFF;
	s15 =	sadd.s32 $0x10, s15  }
0x17: {  	[tilespmem:s15], [sflag:$0x1] =	stream.indirect_vreg.gather [hbm4b:s2+s10], $0x1, v0, vm0, $0x4038;
	[tilespmem:$0x280] =	vst v63  }
0x18: {  	_ =	swait.ge [sflag:s6], $0xA0  }
0x19: {  	s30 =	sshrl.u32 s13, $0x3;
	[sflag:s6] =	ssyncset.done $0x0  }
0x1a: {  	s31 =	sand.u32 $0x7, s13;
	s15 =	sadd.s32 s4, s30;
	[sflag:s6] =	ssyncadd.s32 $0xFFFFFF60  }
0x1b: {  	[hbm4b:s15+s31] =	stream.linear.scatter [tilespmem:s14], [sflag:$0x3], $0xA0, $0x38;
	[tilespmem:$0x280] =	vst v63  }
.LBB2_5:
0x1c: {  	s15 =	sadd.s32 $0x1400, s11  }
0x1d: {  	p1 =	sgt.s32 s15, $0x167F  }
0x1e: {  	s15 =	smov.u32 @p1 s5;
	p1 =	sne.s32 s12, s9  }
.Ltmp1:
0x1f: {  	p0 =	slt.u32 s12, $0x2;
	(pc) =	sbr.rel @!p1 .LBB2_6-.Ltmp1, $4  }
0x20: {  	s14 =	simm.s32 @!p0 $0x3  }
0x21: {  	_ =	swait.ge @!p0 [sflag:s14], $0xA0  }
0x22: {  	s16 =	sadd.s32 $0x1, s12;
	s13 =	smov.u32 s11;
	[sflag:s14] =	ssyncset.done @!p0 $0x0  }
0x23: {  	s12 =	smov.u32 s16;
	s11 =	smov.u32 s15;
	[sflag:s14] =	ssyncadd.s32 @!p0 $0xFFFFFF60  }
.LBB2_1:
0x24: {  	p0 =	sge.u32 s12, s8  }
0x25: {  	s14 =	sxor.u32 @!p0 $0x1, s12  }
0x26: {  	s14 =	smul.u32 @!p0 $0x280, s14  }
0x27: {  	s31 =	sadd.s32 $0xFFFFFFFF, s12;
	s15 =	sshrl.u32 @!p0 s11, $0x3  }
0x28: {  	s16 =	sand.u32 @!p0 $0x7, s11;
	s15 =	sadd.s32 @!p0 s3, s15;
	s14 =	sshra.s32 @!p0 s14, $0x2  }
0x29: {  	[tilespmem:s14], [sflag:$0x2] =	stream.linear.gather @!p0 [hbm4b:s15+s16], $0xA0, $0x38;
	[tilespmem:$0x280] =	vst v63  }
0x2a: {  	p0 =	sge.u32 s31, s8  }
.Ltmp2:
0x2b: {  	_ = 	snop;
	(pc) =	sbr.rel @p0 .LBB2_5-.Ltmp2, $1  }
0x2c: {  	_ =	sdelay $0x3  }
0x2d: {  	s14 =	sand.u32 $0x1, s12  }
0x2e: {  	_ =	swait.ge [sflag:s7], $0xA0;
	p0 =	seq.s32 s14, $0x1;
	s14 =	simm.s32 $0xA0  }
0x2f: {  	[sflag:s7] =	ssyncset.done $0x0;
	s14 =	simm.s32 @!p0 $0x0  }
0x30: {  	[sflag:s7] =	ssyncadd.s32 $0xFFFFFF60;
	(ifvalue) =	ssetifvalue $0x7FFFFFFF;
	v0 =	vld.msk [tilespmem:s14+$0x0 ss:$0x1], $0xffff;
	_ =	sdelay $0x3  }
0x31: {  	s15 =	sadd.s32 $0x10, s14  }
0x32: {  	v2 =	vld.msk [tilespmem:s15+$0x0 ss:$0x1], $0xffff;
	v1 =	vshrl.u32 v0, $0x5  }
0x33: {  	vm1 =	veq.s32 v0, $0x80000000;
	v0 =	vand.u32 $0x1F, v0;
	v1 =	vand.u32 $0xFF, v1  }
0x34: {  	v0 =	vsel vm1, $0xFFFFFFFF, v0;
	v1 =	vsel vm1, $0xFFFFFFFF, v1  }
0x35: {  	v3 =	vshll.u32 v0, $0x8;
	v4 =	vshll.u32 v1, $0x3  }
0x36: {  	v0 =	vshll.u32 v0, $0x7;
	v3 =	vand.u32 $0xFFFFF800, v3;
	v4 =	vand.u32 $0xFFFFFC00, v4  }
0x37: {  	vm1 =	veq.s32 v2, $0x80000000;
	v0 =	vand.u32 $0x380, v0;
	v3 =	vadd.s32 v3, v4  }
0x38: {  	v1 =	vand.u32 $0x7F, v1;
	v0 =	vor.u32 v0, v3;
	v3 =	vshrl.u32 v2, $0x5  }
0x39: {  	s15 =	sadd.s32 $0x10, s15;
	v2 =	vand.u32 $0x1F, v2;
	v1 =	vor.u32 v1, v0;
	v3 =	vand.u32 $0xFF, v3  }
0x3a: {  	v0 =	vld.msk [tilespmem:s15+$0x0 ss:$0x1], $0xffff;
	v2 =	vsel vm1, $0xFFFFFFFF, v2;
	v3 =	vsel vm1, $0xFFFFFFFF, v3  }
0x3b: {  	v63 =	vshll.u32 v2, $0x8;
	v5 =	vshll.u32 v3, $0x3  }
0x3c: {  	v2 =	vshll.u32 v2, $0x7;
	v4 =	vand.u32 $0xFFFFF800, v63;
	v5 =	vand.u32 $0xFFFFFC00, v5  }
0x3d: {  	s14 =	sor.u32 $0x140, s14;
	(ifvalue) =	ssetifvalue $0x7FFFFFFF;
	v2 =	vand.u32 $0x380, v2;
	v4 =	vadd.s32 v4, v5  }
0x3e: {  	[tilespmem:s14], [sflag:$0x1] =	stream.indirect_vreg.gather [hbm4b:s2+s10], $0x1, v1, vm0, $0x4038;
	v1 =	vand.u32 $0x7F, v3;
	v3 =	vor.u32 v2, v4;
	[tilespmem:$0x280] =	vst v63  }
0x3f: {  	s16 =	simm.s32 $0x20;
	s17 =	sadd.s32 $0x10, s15;
	s15 =	smov.u32 s14;
	v2 =	vshrl.u32 v0, $0x5;
	v1 =	vor.u32 v1, v3  }
.LBB2_3:
0x40: {  	s16 =	sadd.s32 $0x10, s16;
	vm1 =	veq.s32 v0, $0x80000000;
	v3 =	vand.u32 $0x1F, v0;
	v0 =	vld.msk [tilespmem:s17+$0x0 ss:$0x1], $0xffff;
	v2 =	vand.u32 $0xFF, v2  }
0x41: {  	p0 =	slt.u32 s16, $0x90;
	v3 =	vsel vm1, $0xFFFFFFFF, v3;
	v2 =	vsel vm1, $0xFFFFFFFF, v2  }
.Ltmp3:
0x42: {  	v4 =	vshll.u32 v3, $0x8;
	v5 =	vshll.u32 v2, $0x3;
	(pc) =	sbr.rel @p0 .LBB2_3-.Ltmp3, $4  }
0x43: {  	s15 =	sadd.s32 $0x10, s15;
	v3 =	vshll.u32 v3, $0x7;
	v4 =	vand.u32 $0xFFFFF800, v4;
	v5 =	vand.u32 $0xFFFFFC00, v5;
	(ifvalue) =	ssetifvalue $0x7FFFFFFF  }
0x44: {  	v3 =	vand.u32 $0x380, v3;
	v4 =	vadd.s32 v4, v5;
	[tilespmem:s15], [sflag:$0x1] =	stream.indirect_vreg.gather [hbm4b:s2+s10], $0x1, v1, vm0, $0x4038;
	[tilespmem:$0x280] =	vst v63  }
0x45: {  	v1 =	vand.u32 $0x7F, v2;
	v3 =	vor.u32 v3, v4  }
0x46: {  	s17 =	sadd.s32 $0x10, s17;
	v2 =	vshrl.u32 v0, $0x5;
	v1 =	vor.u32 v1, v3  }
.Ltmp4:
0x47: {  	_ = 	snop;
	(pc) =	sbr.rel .LBB2_4-.Ltmp4, $1  }
0x48: {  	_ =	sdelay $0x3  }
.LBB2_6:
0x49: {  	_ =	sfence.sel $0x180000  }
0x4a: {  	s2 =	simm.s32 $0x2;
	[bflag:$0x0] =	sbarrier.arrive $0xFFFF  }
0x4b: {  	s30 =	simm.s32 $0x3;
	[sflag:s2] =	ssyncpa.u1 $0x1  }
0x4c: {  	s31 =	simm.s32 $0x1;
	[sflag:s30] =	ssyncpa.u1 $0x1  }
0x4d: {  	[sflag:s31] =	ssyncpa.u1 $0x1  }
0x4e: {  	p0 =	sne.s32 s0, $0x0;
	_ =	strace $0x90000047  }
0x4f: {  	s0 =	sadd.s32 @!p0 $0x100000, s1;
	[bflag:$0x2] =	sbarrier.arrive $0xFFFF  }
0x50: {  	[sflag:s0] =	ssyncadd.tile.s32 @!p0 $0x1;
	_ =	shalt  }
.Lfunc_end2:
_tile_overlayer_lowered:
.L_overlay_start_2:
0x51: {  	(tag) =	ssettag $0x2  }
0x52: {  	s0 =	rddreg [dreg:$0x0];
	s2 =	stileid.u32  }
0x53: {  	s1 =	rddreg [dreg:$0x1];
	p0 =	sne.s32 s2, $0x0  }
0x54: {  	s3 =	rddreg [dreg:$0x2];
	[bflag:$0x3] =	sbarrier.arrive $0xFFFF;
	s2 =	simm.s32 @!p0 $0x1C01  }
0x55: {  	[timem:s3], [sflag:s2] =	dma.local @!p0 [hbm:s0], s1  }
0x56: {  	s0 =	simm.s32 @!p0 $0x1  }
0x57: {  	_ =	swait.ge @!p0 [sflag:s0], s1  }
0x58: {  	s1 =	ssub.s32 @!p0 $0x0, s1;
	[sflag:s0] =	ssyncset.done @!p0 $0x0  }
0x59: {  	[sflag:s0] =	ssyncadd.s32 @!p0 s1  }
0x5a: {  	[bflag:$0x3] =	sbarrier.arrive $0xFFFF  }
0x5b: {  	_ =	shalt  }

</sc_bundles>
